<compile_context>
chip_gen: v7x
topology: tpu7x:2x2x1
jax: 0.10.2.dev20260603
libtpu: 0.0.44.dev20260713+nightly
codegen_flags: <defaults>
</compile_context>

<pallas_src>
import jax
import jax.numpy as jnp
from jax import lax
from jax.experimental import pallas as pl
from jax.experimental.pallas import tpu as pltpu
from jax.experimental.pallas import tpu_sc as plsc

NUM_EMBEDDINGS = 100000
EMBEDDING_DIM = 1024

_NUM_CORES = 2
_NUM_SUBCORES = 16
_NUM_WORKERS = _NUM_CORES * _NUM_SUBCORES

_NUM_IDS = 1024 * 50
_IDS_PER_W = _NUM_IDS // _NUM_WORKERS

_CHUNK = 8
_NCHUNK = _IDS_PER_W // _CHUNK
_NBUF = 4


def _gather_body(idx_hbm, table_hbm, out_hbm, idx_v, rows_v, rows_sh, *sems):
    gsem = sems[:_NBUF]
    xsem = sems[_NBUF : 2 * _NBUF]
    osem = sems[2 * _NBUF :]
    sid = lax.axis_index("s")
    wid = sid * _NUM_CORES + lax.axis_index("c")
    base = wid * _IDS_PER_W
    pltpu.sync_copy(idx_hbm.at[pl.ds(base, _IDS_PER_W)], idx_v)

    def _gather(j, buf):
        return pltpu.make_async_copy(
            table_hbm.at[idx_v.at[pl.ds(j * _CHUNK, _CHUNK)]],
            rows_v.at[buf],
            gsem[buf],
        )

    def _xcopy(buf):
        return pltpu.make_async_copy(
            rows_v.at[buf],
            rows_sh.at[sid, buf],
            xsem[buf],
        )

    def _put(j, buf):
        return pltpu.make_async_copy(
            rows_sh.at[sid, buf],
            out_hbm.at[pl.ds(base + j * _CHUNK, _CHUNK)],
            osem[buf],
        )

    for b in range(_NBUF):
        _gather(b, b).start()
    for b in range(_NBUF):
        _gather(b, b).wait()
        _xcopy(b).start()
    for b in range(_NBUF):
        _xcopy(b).wait()
        _put(b, b).start()
        _gather(b + _NBUF, b).start()

    @pl.loop(_NBUF, _NCHUNK - _NBUF, step=_NBUF)
    def _group(m):
        for b in range(_NBUF):
            _gather(m + b, b).wait()
            _put(m - _NBUF + b, b).wait()
            _xcopy(b).start()
        for b in range(_NBUF):
            _xcopy(b).wait()
            _put(m + b, b).start()
            _gather(m + b + _NBUF, b).start()

    for b in range(_NBUF):
        _gather(_NCHUNK - _NBUF + b, b).wait()
        _put(_NCHUNK - 2 * _NBUF + b, b).wait()
        _xcopy(b).start()
    for b in range(_NBUF):
        _xcopy(b).wait()
        _put(_NCHUNK - _NBUF + b, b).start()
    for b in range(_NBUF):
        _put(_NCHUNK - _NBUF + b, b).wait()


@jax.jit
def _encode(input_ids, table):
    mesh = plsc.VectorSubcoreMesh(core_axis_name="c", subcore_axis_name="s")
    flat = pl.kernel(
        _gather_body,
        out_type=jax.ShapeDtypeStruct((_NUM_IDS, EMBEDDING_DIM), jnp.float32),
        mesh=mesh,
        scratch_types=[
            pltpu.VMEM((_IDS_PER_W,), jnp.int32),
            pltpu.VMEM((_NBUF, _CHUNK, EMBEDDING_DIM), jnp.float32),
            pltpu.VMEM_SHARED(
                (_NUM_SUBCORES, _NBUF, _CHUNK, EMBEDDING_DIM), jnp.float32
            ),
        ]
        + [pltpu.SemaphoreType.DMA] * (3 * _NBUF),
    )(input_ids.reshape(-1), table)
    return flat.reshape(input_ids.shape[0], input_ids.shape[1], EMBEDDING_DIM)


def kernel(input_ids, table):
    return _encode(input_ids, table)

# --- scband reference (transcript-rebuilt; emitter-appended) ---
"""Pipeline reference for scband-llmtoken-encoder-89936615178771 (READ-ONLY COPY).

The authoritative reference and input builder live on the scoring server;
editing this copy changes nothing except your own understanding.
"""

import jax, jax.numpy as jnp
import numpy as np

NUM_EMBEDDINGS = 100000
EMBEDDING_DIM = 1024

def setup_inputs(seed: int = 0) -> dict:
    key = jax.random.key(seed)
    k1, k2 = jax.random.split(key)
    input_ids = jax.random.randint(k1, (1024, 50), 0, NUM_EMBEDDINGS)
    table = jax.random.normal(k2, (NUM_EMBEDDINGS, EMBEDDING_DIM), dtype=jnp.float32) * 0.02
    return {"input_ids": input_ids, "table": table}

def reference(input_ids, table):
    # LLMTokenEncoder.forward with use_LLMTokenEncoder_mlp=False:
    # output = embedding_layer(input_ids) -> pure gather from frozen LLM token table
    embeddings = jnp.take(table, input_ids, axis=0)
    return embeddings

if __name__ == "__main__":
    import jax
    _d = setup_inputs()
    print(jax.jit(kernel)(*tuple(_d.values())))

</pallas_src>

<mosaic_0001>
#map = affine_map<(d0, d1) -> (0)>
#map1 = affine_map<(d0, d1) -> (0, 0)>
module attributes {stable_mosaic.version = 14 : i64} {
  func.func @_gather_body(%arg0: i32, %arg1: i32, %arg2: memref<51200xi32, #tpu.memory_space<hbm>>, %arg3: memref<100000x1024xf32, #tpu.memory_space<hbm>>, %arg4: memref<51200x1024xf32, #tpu.memory_space<hbm>>, %arg5: memref<1600xi32, #tpu.memory_space<vmem>>, %arg6: memref<4x8x1024xf32, #tpu.memory_space<vmem>>, %arg7: memref<16x4x8x1024xf32, #tpu.memory_space<vmem_shared>>, %arg8: memref<!tpu.dma_semaphore, #tpu.memory_space<semaphore_mem>>, %arg9: memref<!tpu.dma_semaphore, #tpu.memory_space<semaphore_mem>>, %arg10: memref<!tpu.dma_semaphore, #tpu.memory_space<semaphore_mem>>, %arg11: memref<!tpu.dma_semaphore, #tpu.memory_space<semaphore_mem>>, %arg12: memref<!tpu.dma_semaphore, #tpu.memory_space<semaphore_mem>>, %arg13: memref<!tpu.dma_semaphore, #tpu.memory_space<semaphore_mem>>, %arg14: memref<!tpu.dma_semaphore, #tpu.memory_space<semaphore_mem>>, %arg15: memref<!tpu.dma_semaphore, #tpu.memory_space<semaphore_mem>>, %arg16: memref<!tpu.dma_semaphore, #tpu.memory_space<semaphore_mem>>, %arg17: memref<!tpu.dma_semaphore, #tpu.memory_space<semaphore_mem>>, %arg18: memref<!tpu.dma_semaphore, #tpu.memory_space<semaphore_mem>>, %arg19: memref<!tpu.dma_semaphore, #tpu.memory_space<semaphore_mem>>) attributes {dimension_semantics = [#tpu.dimension_semantics<core_parallel>, #tpu.dimension_semantics<subcore_parallel>], iteration_bounds = array<i64: 2, 16>, scalar_prefetch = 0 : i64, scratch_operands = 15 : i64, tpu.core_type = #tpu.core_type<sc_vector_subcore>, window_params = [{transform_indices = #map}, {transform_indices = #map1}, {transform_indices = #map1}]} {
    %mul3A = arith.constant 2 : i32
    %mul3A_0 = arith.muli %arg1, %mul3A : i32
    %add3A = arith.addi %mul3A_0, %arg0 : i32
    %mul3A_1 = arith.constant 1600 : i32
    %mul3A_2 = arith.muli %add3A, %mul3A_1 : i32
    "tpu.region"() ({
      %run_scoped3A = tpu.sem_alloc : memref<!tpu.dma_semaphore, #tpu.memory_space<semaphore_mem>>
      %dma_start3A_597 = tpu.memref_slice %arg2[%mul3A_2] : memref<51200xi32, #tpu.memory_space<hbm>> -> memref<1600xi32, #tpu.memory_space<hbm>>
      %dma_start3A_598 = tpu.memref_slice %arg2[%mul3A_2] : memref<51200xi32, #tpu.memory_space<hbm>> -> memref<1600xi32, #tpu.memory_space<hbm>>
      tpu.enqueue_dma source(%dma_start3A_598 : memref<1600xi32, #tpu.memory_space<hbm>>) target(%arg5 : memref<1600xi32, #tpu.memory_space<vmem>>) target_semaphore(%run_scoped3A : memref<!tpu.dma_semaphore, #tpu.memory_space<semaphore_mem>>)
      %dma_wait3A_599 = tpu.memref_slice %arg2[%mul3A_2] : memref<51200xi32, #tpu.memory_space<hbm>> -> memref<1600xi32, #tpu.memory_space<hbm>>
      %dma_wait3A_600 = tpu.memref_slice %arg2[%mul3A_2] : memref<51200xi32, #tpu.memory_space<hbm>> -> memref<1600xi32, #tpu.memory_space<hbm>>
      tpu.wait_dma2 semaphore(%run_scoped3A : memref<!tpu.dma_semaphore, #tpu.memory_space<semaphore_mem>>) src(%dma_wait3A_600 : memref<1600xi32, #tpu.memory_space<hbm>>) dst(%arg5 : memref<1600xi32, #tpu.memory_space<vmem>>)
      tpu.yield
    }) : () -> ()
    %dma_start3A = arith.constant 0 : i32
    %dma_start3A_3 = arith.constant 0 : i32
    %dma_start3A_4 = arith.constant 0 : i32
    %dma_start3A_5 = tpu.memref_slice %arg6[%dma_start3A, %dma_start3A_3, %dma_start3A_4] : memref<4x8x1024xf32, #tpu.memory_space<vmem>> -> memref<1x8x1024xf32, #tpu.memory_space<vmem>>
    %dma_start3A_6 = tpu.memref_squeeze %dma_start3A_5 : memref<1x8x1024xf32, #tpu.memory_space<vmem>> -> memref<8x1024xf32, #tpu.memory_space<vmem>>
    %dma_start3A_7 = arith.constant 0 : i32
    %dma_start3A_8 = tpu.memref_slice %arg5[%dma_start3A_7] : memref<1600xi32, #tpu.memory_space<vmem>> -> memref<8xi32, #tpu.memory_space<vmem>>
    %dma_start3A_9 = arith.constant 0 : i32
    %dma_start3A_10 = arith.constant 0 : i32
    %dma_start3A_11 = tpu.memref_slice %arg3[%dma_start3A_9, %dma_start3A_10] : memref<100000x1024xf32, #tpu.memory_space<hbm>> -> memref<100000x1024xf32, #tpu.memory_space<hbm>>
    tpu.enqueue_indirect_dma source(%dma_start3A_11 : memref<100000x1024xf32, #tpu.memory_space<hbm>>) target(%dma_start3A_6 : memref<8x1024xf32, #tpu.memory_space<vmem>>) offsets(%dma_start3A_8 : memref<8xi32, #tpu.memory_space<vmem>>) semaphore(%arg8 : memref<!tpu.dma_semaphore, #tpu.memory_space<semaphore_mem>>)
    %dma_start3A_12 = arith.constant 1 : i32
    %dma_start3A_13 = arith.constant 0 : i32
    %dma_start3A_14 = arith.constant 0 : i32
    %dma_start3A_15 = tpu.memref_slice %arg6[%dma_start3A_12, %dma_start3A_13, %dma_start3A_14] : memref<4x8x1024xf32, #tpu.memory_space<vmem>> -> memref<1x8x1024xf32, #tpu.memory_space<vmem>>
    %dma_start3A_16 = tpu.memref_squeeze %dma_start3A_15 : memref<1x8x1024xf32, #tpu.memory_space<vmem>> -> memref<8x1024xf32, #tpu.memory_space<vmem>>
    %dma_start3A_17 = arith.constant 8 : i32
    %dma_start3A_18 = tpu.memref_slice %arg5[%dma_start3A_17] : memref<1600xi32, #tpu.memory_space<vmem>> -> memref<8xi32, #tpu.memory_space<vmem>>
    %dma_start3A_19 = arith.constant 0 : i32
    %dma_start3A_20 = arith.constant 0 : i32
    %dma_start3A_21 = tpu.memref_slice %arg3[%dma_start3A_19, %dma_start3A_20] : memref<100000x1024xf32, #tpu.memory_space<hbm>> -> memref<100000x1024xf32, #tpu.memory_space<hbm>>
    tpu.enqueue_indirect_dma source(%dma_start3A_21 : memref<100000x1024xf32, #tpu.memory_space<hbm>>) target(%dma_start3A_16 : memref<8x1024xf32, #tpu.memory_space<vmem>>) offsets(%dma_start3A_18 : memref<8xi32, #tpu.memory_space<vmem>>) semaphore(%arg9 : memref<!tpu.dma_semaphore, #tpu.memory_space<semaphore_mem>>)
    %dma_start3A_22 = arith.constant 2 : i32
    %dma_start3A_23 = arith.constant 0 : i32
    %dma_start3A_24 = arith.constant 0 : i32
    %dma_start3A_25 = tpu.memref_slice %arg6[%dma_start3A_22, %dma_start3A_23, %dma_start3A_24] : memref<4x8x1024xf32, #tpu.memory_space<vmem>> -> memref<1x8x1024xf32, #tpu.memory_space<vmem>>
    %dma_start3A_26 = tpu.memref_squeeze %dma_start3A_25 : memref<1x8x1024xf32, #tpu.memory_space<vmem>> -> memref<8x1024xf32, #tpu.memory_space<vmem>>
    %dma_start3A_27 = arith.constant 16 : i32
    %dma_start3A_28 = tpu.memref_slice %arg5[%dma_start3A_27] : memref<1600xi32, #tpu.memory_space<vmem>> -> memref<8xi32, #tpu.memory_space<vmem>>
    %dma_start3A_29 = arith.constant 0 : i32
    %dma_start3A_30 = arith.constant 0 : i32
    %dma_start3A_31 = tpu.memref_slice %arg3[%dma_start3A_29, %dma_start3A_30] : memref<100000x1024xf32, #tpu.memory_space<hbm>> -> memref<100000x1024xf32, #tpu.memory_space<hbm>>
    tpu.enqueue_indirect_dma source(%dma_start3A_31 : memref<100000x1024xf32, #tpu.memory_space<hbm>>) target(%dma_start3A_26 : memref<8x1024xf32, #tpu.memory_space<vmem>>) offsets(%dma_start3A_28 : memref<8xi32, #tpu.memory_space<vmem>>) semaphore(%arg10 : memref<!tpu.dma_semaphore, #tpu.memory_space<semaphore_mem>>)
    %dma_start3A_32 = arith.constant 3 : i32
    %dma_start3A_33 = arith.constant 0 : i32
    %dma_start3A_34 = arith.constant 0 : i32
    %dma_start3A_35 = tpu.memref_slice %arg6[%dma_start3A_32, %dma_start3A_33, %dma_start3A_34] : memref<4x8x1024xf32, #tpu.memory_space<vmem>> -> memref<1x8x1024xf32, #tpu.memory_space<vmem>>
    %dma_start3A_36 = tpu.memref_squeeze %dma_start3A_35 : memref<1x8x1024xf32, #tpu.memory_space<vmem>> -> memref<8x1024xf32, #tpu.memory_space<vmem>>
    %dma_start3A_37 = arith.constant 24 : i32
    %dma_start3A_38 = tpu.memref_slice %arg5[%dma_start3A_37] : memref<1600xi32, #tpu.memory_space<vmem>> -> memref<8xi32, #tpu.memory_space<vmem>>
    %dma_start3A_39 = arith.constant 0 : i32
    %dma_start3A_40 = arith.constant 0 : i32
    %dma_start3A_41 = tpu.memref_slice %arg3[%dma_start3A_39, %dma_start3A_40] : memref<100000x1024xf32, #tpu.memory_space<hbm>> -> memref<100000x1024xf32, #tpu.memory_space<hbm>>
    tpu.enqueue_indirect_dma source(%dma_start3A_41 : memref<100000x1024xf32, #tpu.memory_space<hbm>>) target(%dma_start3A_36 : memref<8x1024xf32, #tpu.memory_space<vmem>>) offsets(%dma_start3A_38 : memref<8xi32, #tpu.memory_space<vmem>>) semaphore(%arg11 : memref<!tpu.dma_semaphore, #tpu.memory_space<semaphore_mem>>)
    %dma_wait3A = arith.constant 0 : i32
    %dma_wait3A_42 = arith.constant 0 : i32
    %dma_wait3A_43 = arith.constant 0 : i32
    %dma_wait3A_44 = tpu.memref_slice %arg6[%dma_wait3A, %dma_wait3A_42, %dma_wait3A_43] : memref<4x8x1024xf32, #tpu.memory_space<vmem>> -> memref<1x8x1024xf32, #tpu.memory_space<vmem>>
    %dma_wait3A_45 = tpu.memref_squeeze %dma_wait3A_44 : memref<1x8x1024xf32, #tpu.memory_space<vmem>> -> memref<8x1024xf32, #tpu.memory_space<vmem>>
    %dma_wait3A_46 = arith.constant 0 : i32
    %dma_wait3A_47 = tpu.memref_slice %arg5[%dma_wait3A_46] : memref<1600xi32, #tpu.memory_space<vmem>> -> memref<8xi32, #tpu.memory_space<vmem>>
    %dma_wait3A_48 = arith.constant 0 : i32
    %dma_wait3A_49 = arith.constant 0 : i32
    %dma_wait3A_50 = tpu.memref_slice %arg3[%dma_wait3A_48, %dma_wait3A_49] : memref<100000x1024xf32, #tpu.memory_space<hbm>> -> memref<100000x1024xf32, #tpu.memory_space<hbm>>
    tpu.wait_indirect_dma semaphore(%arg8 : memref<!tpu.dma_semaphore, #tpu.memory_space<semaphore_mem>>) src(%dma_wait3A_50 : memref<100000x1024xf32, #tpu.memory_space<hbm>>) dst(%dma_wait3A_45 : memref<8x1024xf32, #tpu.memory_space<vmem>>)
    %dma_start3A_51 = arith.constant 0 : i32
    %dma_start3A_52 = arith.constant 0 : i32
    %dma_start3A_53 = arith.constant 0 : i32
    %dma_start3A_54 = arith.constant 0 : i32
    %dma_start3A_55 = tpu.memref_slice %arg6[%dma_start3A_51, %dma_start3A_53, %dma_start3A_54] : memref<4x8x1024xf32, #tpu.memory_space<vmem>> -> memref<1x8x1024xf32, #tpu.memory_space<vmem>>
    %dma_start3A_56 = tpu.memref_squeeze %dma_start3A_55 : memref<1x8x1024xf32, #tpu.memory_space<vmem>> -> memref<8x1024xf32, #tpu.memory_space<vmem>>
    %dma_start3A_57 = arith.constant 0 : i32
    %dma_start3A_58 = arith.constant 0 : i32
    %dma_start3A_59 = tpu.memref_slice %arg7[%arg1, %dma_start3A_52, %dma_start3A_57, %dma_start3A_58] : memref<16x4x8x1024xf32, #tpu.memory_space<vmem_shared>> -> memref<1x1x8x1024xf32, #tpu.memory_space<vmem_shared>>
    %dma_start3A_60 = tpu.memref_squeeze %dma_start3A_59 : memref<1x1x8x1024xf32, #tpu.memory_space<vmem_shared>> -> memref<8x1024xf32, #tpu.memory_space<vmem_shared>>
    %dma_start3A_61 = arith.constant 0 : i32
    %dma_start3A_62 = arith.constant 0 : i32
    %dma_start3A_63 = tpu.memref_slice %arg7[%arg1, %dma_start3A_52, %dma_start3A_61, %dma_start3A_62] : memref<16x4x8x1024xf32, #tpu.memory_space<vmem_shared>> -> memref<1x1x8x1024xf32, #tpu.memory_space<vmem_shared>>
    %dma_start3A_64 = tpu.memref_squeeze %dma_start3A_63 : memref<1x1x8x1024xf32, #tpu.memory_space<vmem_shared>> -> memref<8x1024xf32, #tpu.memory_space<vmem_shared>>
    %dma_start3A_65 = arith.constant 0 : i32
    %dma_start3A_66 = arith.constant 0 : i32
    %dma_start3A_67 = tpu.memref_slice %arg6[%dma_start3A_51, %dma_start3A_65, %dma_start3A_66] : memref<4x8x1024xf32, #tpu.memory_space<vmem>> -> memref<1x8x1024xf32, #tpu.memory_space<vmem>>
    %dma_start3A_68 = tpu.memref_squeeze %dma_start3A_67 : memref<1x8x1024xf32, #tpu.memory_space<vmem>> -> memref<8x1024xf32, #tpu.memory_space<vmem>>
    tpu.enqueue_dma source(%dma_start3A_68 : memref<8x1024xf32, #tpu.memory_space<vmem>>) target(%dma_start3A_64 : memref<8x1024xf32, #tpu.memory_space<vmem_shared>>) target_semaphore(%arg12 : memref<!tpu.dma_semaphore, #tpu.memory_space<semaphore_mem>>)
    %dma_wait3A_69 = arith.constant 1 : i32
    %dma_wait3A_70 = arith.constant 0 : i32
    %dma_wait3A_71 = arith.constant 0 : i32
    %dma_wait3A_72 = tpu.memref_slice %arg6[%dma_wait3A_69, %dma_wait3A_70, %dma_wait3A_71] : memref<4x8x1024xf32, #tpu.memory_space<vmem>> -> memref<1x8x1024xf32, #tpu.memory_space<vmem>>
    %dma_wait3A_73 = tpu.memref_squeeze %dma_wait3A_72 : memref<1x8x1024xf32, #tpu.memory_space<vmem>> -> memref<8x1024xf32, #tpu.memory_space<vmem>>
    %dma_wait3A_74 = arith.constant 8 : i32
    %dma_wait3A_75 = tpu.memref_slice %arg5[%dma_wait3A_74] : memref<1600xi32, #tpu.memory_space<vmem>> -> memref<8xi32, #tpu.memory_space<vmem>>
    %dma_wait3A_76 = arith.constant 0 : i32
    %dma_wait3A_77 = arith.constant 0 : i32
    %dma_wait3A_78 = tpu.memref_slice %arg3[%dma_wait3A_76, %dma_wait3A_77] : memref<100000x1024xf32, #tpu.memory_space<hbm>> -> memref<100000x1024xf32, #tpu.memory_space<hbm>>
    tpu.wait_indirect_dma semaphore(%arg9 : memref<!tpu.dma_semaphore, #tpu.memory_space<semaphore_mem>>) src(%dma_wait3A_78 : memref<100000x1024xf32, #tpu.memory_space<hbm>>) dst(%dma_wait3A_73 : memref<8x1024xf32, #tpu.memory_space<vmem>>)
    %dma_start3A_79 = arith.constant 1 : i32
    %dma_start3A_80 = arith.constant 1 : i32
    %dma_start3A_81 = arith.constant 0 : i32
    %dma_start3A_82 = arith.constant 0 : i32
    %dma_start3A_83 = tpu.memref_slice %arg6[%dma_start3A_79, %dma_start3A_81, %dma_start3A_82] : memref<4x8x1024xf32, #tpu.memory_space<vmem>> -> memref<1x8x1024xf32, #tpu.memory_space<vmem>>
    %dma_start3A_84 = tpu.memref_squeeze %dma_start3A_83 : memref<1x8x1024xf32, #tpu.memory_space<vmem>> -> memref<8x1024xf32, #tpu.memory_space<vmem>>
    %dma_start3A_85 = arith.constant 0 : i32
    %dma_start3A_86 = arith.constant 0 : i32
    %dma_start3A_87 = tpu.memref_slice %arg7[%arg1, %dma_start3A_80, %dma_start3A_85, %dma_start3A_86] : memref<16x4x8x1024xf32, #tpu.memory_space<vmem_shared>> -> memref<1x1x8x1024xf32, #tpu.memory_space<vmem_shared>>
    %dma_start3A_88 = tpu.memref_squeeze %dma_start3A_87 : memref<1x1x8x1024xf32, #tpu.memory_space<vmem_shared>> -> memref<8x1024xf32, #tpu.memory_space<vmem_shared>>
    %dma_start3A_89 = arith.constant 0 : i32
    %dma_start3A_90 = arith.constant 0 : i32
    %dma_start3A_91 = tpu.memref_slice %arg7[%arg1, %dma_start3A_80, %dma_start3A_89, %dma_start3A_90] : memref<16x4x8x1024xf32, #tpu.memory_space<vmem_shared>> -> memref<1x1x8x1024xf32, #tpu.memory_space<vmem_shared>>
    %dma_start3A_92 = tpu.memref_squeeze %dma_start3A_91 : memref<1x1x8x1024xf32, #tpu.memory_space<vmem_shared>> -> memref<8x1024xf32, #tpu.memory_space<vmem_shared>>
    %dma_start3A_93 = arith.constant 0 : i32
    %dma_start3A_94 = arith.constant 0 : i32
    %dma_start3A_95 = tpu.memref_slice %arg6[%dma_start3A_79, %dma_start3A_93, %dma_start3A_94] : memref<4x8x1024xf32, #tpu.memory_space<vmem>> -> memref<1x8x1024xf32, #tpu.memory_space<vmem>>
    %dma_start3A_96 = tpu.memref_squeeze %dma_start3A_95 : memref<1x8x1024xf32, #tpu.memory_space<vmem>> -> memref<8x1024xf32, #tpu.memory_space<vmem>>
    tpu.enqueue_dma source(%dma_start3A_96 : memref<8x1024xf32, #tpu.memory_space<vmem>>) target(%dma_start3A_92 : memref<8x1024xf32, #tpu.memory_space<vmem_shared>>) target_semaphore(%arg13 : memref<!tpu.dma_semaphore, #tpu.memory_space<semaphore_mem>>)
    %dma_wait3A_97 = arith.constant 2 : i32
    %dma_wait3A_98 = arith.constant 0 : i32
    %dma_wait3A_99 = arith.constant 0 : i32
    %dma_wait3A_100 = tpu.memref_slice %arg6[%dma_wait3A_97, %dma_wait3A_98, %dma_wait3A_99] : memref<4x8x1024xf32, #tpu.memory_space<vmem>> -> memref<1x8x1024xf32, #tpu.memory_space<vmem>>
    %dma_wait3A_101 = tpu.memref_squeeze %dma_wait3A_100 : memref<1x8x1024xf32, #tpu.memory_space<vmem>> -> memref<8x1024xf32, #tpu.memory_space<vmem>>
    %dma_wait3A_102 = arith.constant 16 : i32
    %dma_wait3A_103 = tpu.memref_slice %arg5[%dma_wait3A_102] : memref<1600xi32, #tpu.memory_space<vmem>> -> memref<8xi32, #tpu.memory_space<vmem>>
    %dma_wait3A_104 = arith.constant 0 : i32
    %dma_wait3A_105 = arith.constant 0 : i32
    %dma_wait3A_106 = tpu.memref_slice %arg3[%dma_wait3A_104, %dma_wait3A_105] : memref<100000x1024xf32, #tpu.memory_space<hbm>> -> memref<100000x1024xf32, #tpu.memory_space<hbm>>
    tpu.wait_indirect_dma semaphore(%arg10 : memref<!tpu.dma_semaphore, #tpu.memory_space<semaphore_mem>>) src(%dma_wait3A_106 : memref<100000x1024xf32, #tpu.memory_space<hbm>>) dst(%dma_wait3A_101 : memref<8x1024xf32, #tpu.memory_space<vmem>>)
    %dma_start3A_107 = arith.constant 2 : i32
    %dma_start3A_108 = arith.constant 2 : i32
    %dma_start3A_109 = arith.constant 0 : i32
    %dma_start3A_110 = arith.constant 0 : i32
    %dma_start3A_111 = tpu.memref_slice %arg6[%dma_start3A_107, %dma_start3A_109, %dma_start3A_110] : memref<4x8x1024xf32, #tpu.memory_space<vmem>> -> memref<1x8x1024xf32, #tpu.memory_space<vmem>>
    %dma_start3A_112 = tpu.memref_squeeze %dma_start3A_111 : memref<1x8x1024xf32, #tpu.memory_space<vmem>> -> memref<8x1024xf32, #tpu.memory_space<vmem>>
    %dma_start3A_113 = arith.constant 0 : i32
    %dma_start3A_114 = arith.constant 0 : i32
    %dma_start3A_115 = tpu.memref_slice %arg7[%arg1, %dma_start3A_108, %dma_start3A_113, %dma_start3A_114] : memref<16x4x8x1024xf32, #tpu.memory_space<vmem_shared>> -> memref<1x1x8x1024xf32, #tpu.memory_space<vmem_shared>>
    %dma_start3A_116 = tpu.memref_squeeze %dma_start3A_115 : memref<1x1x8x1024xf32, #tpu.memory_space<vmem_shared>> -> memref<8x1024xf32, #tpu.memory_space<vmem_shared>>
    %dma_start3A_117 = arith.constant 0 : i32
    %dma_start3A_118 = arith.constant 0 : i32
    %dma_start3A_119 = tpu.memref_slice %arg7[%arg1, %dma_start3A_108, %dma_start3A_117, %dma_start3A_118] : memref<16x4x8x1024xf32, #tpu.memory_space<vmem_shared>> -> memref<1x1x8x1024xf32, #tpu.memory_space<vmem_shared>>
    %dma_start3A_120 = tpu.memref_squeeze %dma_start3A_119 : memref<1x1x8x1024xf32, #tpu.memory_space<vmem_shared>> -> memref<8x1024xf32, #tpu.memory_space<vmem_shared>>
    %dma_start3A_121 = arith.constant 0 : i32
    %dma_start3A_122 = arith.constant 0 : i32
    %dma_start3A_123 = tpu.memref_slice %arg6[%dma_start3A_107, %dma_start3A_121, %dma_start3A_122] : memref<4x8x1024xf32, #tpu.memory_space<vmem>> -> memref<1x8x1024xf32, #tpu.memory_space<vmem>>
    %dma_start3A_124 = tpu.memref_squeeze %dma_start3A_123 : memref<1x8x1024xf32, #tpu.memory_space<vmem>> -> memref<8x1024xf32, #tpu.memory_space<vmem>>
    tpu.enqueue_dma source(%dma_start3A_124 : memref<8x1024xf32, #tpu.memory_space<vmem>>) target(%dma_start3A_120 : memref<8x1024xf32, #tpu.memory_space<vmem_shared>>) target_semaphore(%arg14 : memref<!tpu.dma_semaphore, #tpu.memory_space<semaphore_mem>>)
    %dma_wait3A_125 = arith.constant 3 : i32
    %dma_wait3A_126 = arith.constant 0 : i32
    %dma_wait3A_127 = arith.constant 0 : i32
    %dma_wait3A_128 = tpu.memref_slice %arg6[%dma_wait3A_125, %dma_wait3A_126, %dma_wait3A_127] : memref<4x8x1024xf32, #tpu.memory_space<vmem>> -> memref<1x8x1024xf32, #tpu.memory_space<vmem>>
    %dma_wait3A_129 = tpu.memref_squeeze %dma_wait3A_128 : memref<1x8x1024xf32, #tpu.memory_space<vmem>> -> memref<8x1024xf32, #tpu.memory_space<vmem>>
    %dma_wait3A_130 = arith.constant 24 : i32
    %dma_wait3A_131 = tpu.memref_slice %arg5[%dma_wait3A_130] : memref<1600xi32, #tpu.memory_space<vmem>> -> memref<8xi32, #tpu.memory_space<vmem>>
    %dma_wait3A_132 = arith.constant 0 : i32
    %dma_wait3A_133 = arith.constant 0 : i32
    %dma_wait3A_134 = tpu.memref_slice %arg3[%dma_wait3A_132, %dma_wait3A_133] : memref<100000x1024xf32, #tpu.memory_space<hbm>> -> memref<100000x1024xf32, #tpu.memory_space<hbm>>
    tpu.wait_indirect_dma semaphore(%arg11 : memref<!tpu.dma_semaphore, #tpu.memory_space<semaphore_mem>>) src(%dma_wait3A_134 : memref<100000x1024xf32, #tpu.memory_space<hbm>>) dst(%dma_wait3A_129 : memref<8x1024xf32, #tpu.memory_space<vmem>>)
    %dma_start3A_135 = arith.constant 3 : i32
    %dma_start3A_136 = arith.constant 3 : i32
    %dma_start3A_137 = arith.constant 0 : i32
    %dma_start3A_138 = arith.constant 0 : i32
    %dma_start3A_139 = tpu.memref_slice %arg6[%dma_start3A_135, %dma_start3A_137, %dma_start3A_138] : memref<4x8x1024xf32, #tpu.memory_space<vmem>> -> memref<1x8x1024xf32, #tpu.memory_space<vmem>>
    %dma_start3A_140 = tpu.memref_squeeze %dma_start3A_139 : memref<1x8x1024xf32, #tpu.memory_space<vmem>> -> memref<8x1024xf32, #tpu.memory_space<vmem>>
    %dma_start3A_141 = arith.constant 0 : i32
    %dma_start3A_142 = arith.constant 0 : i32
    %dma_start3A_143 = tpu.memref_slice %arg7[%arg1, %dma_start3A_136, %dma_start3A_141, %dma_start3A_142] : memref<16x4x8x1024xf32, #tpu.memory_space<vmem_shared>> -> memref<1x1x8x1024xf32, #tpu.memory_space<vmem_shared>>
    %dma_start3A_144 = tpu.memref_squeeze %dma_start3A_143 : memref<1x1x8x1024xf32, #tpu.memory_space<vmem_shared>> -> memref<8x1024xf32, #tpu.memory_space<vmem_shared>>
    %dma_start3A_145 = arith.constant 0 : i32
    %dma_start3A_146 = arith.constant 0 : i32
    %dma_start3A_147 = tpu.memref_slice %arg7[%arg1, %dma_start3A_136, %dma_start3A_145, %dma_start3A_146] : memref<16x4x8x1024xf32, #tpu.memory_space<vmem_shared>> -> memref<1x1x8x1024xf32, #tpu.memory_space<vmem_shared>>
    %dma_start3A_148 = tpu.memref_squeeze %dma_start3A_147 : memref<1x1x8x1024xf32, #tpu.memory_space<vmem_shared>> -> memref<8x1024xf32, #tpu.memory_space<vmem_shared>>
    %dma_start3A_149 = arith.constant 0 : i32
    %dma_start3A_150 = arith.constant 0 : i32
    %dma_start3A_151 = tpu.memref_slice %arg6[%dma_start3A_135, %dma_start3A_149, %dma_start3A_150] : memref<4x8x1024xf32, #tpu.memory_space<vmem>> -> memref<1x8x1024xf32, #tpu.memory_space<vmem>>
    %dma_start3A_152 = tpu.memref_squeeze %dma_start3A_151 : memref<1x8x1024xf32, #tpu.memory_space<vmem>> -> memref<8x1024xf32, #tpu.memory_space<vmem>>
    tpu.enqueue_dma source(%dma_start3A_152 : memref<8x1024xf32, #tpu.memory_space<vmem>>) target(%dma_start3A_148 : memref<8x1024xf32, #tpu.memory_space<vmem_shared>>) target_semaphore(%arg15 : memref<!tpu.dma_semaphore, #tpu.memory_space<semaphore_mem>>)
    %dma_wait3A_153 = arith.constant 0 : i32
    %dma_wait3A_154 = arith.constant 0 : i32
    %dma_wait3A_155 = arith.constant 0 : i32
    %dma_wait3A_156 = arith.constant 0 : i32
    %dma_wait3A_157 = tpu.memref_slice %arg6[%dma_wait3A_153, %dma_wait3A_155, %dma_wait3A_156] : memref<4x8x1024xf32, #tpu.memory_space<vmem>> -> memref<1x8x1024xf32, #tpu.memory_space<vmem>>
    %dma_wait3A_158 = tpu.memref_squeeze %dma_wait3A_157 : memref<1x8x1024xf32, #tpu.memory_space<vmem>> -> memref<8x1024xf32, #tpu.memory_space<vmem>>
    %dma_wait3A_159 = arith.constant 0 : i32
    %dma_wait3A_160 = arith.constant 0 : i32
    %dma_wait3A_161 = tpu.memref_slice %arg7[%arg1, %dma_wait3A_154, %dma_wait3A_159, %dma_wait3A_160] : memref<16x4x8x1024xf32, #tpu.memory_space<vmem_shared>> -> memref<1x1x8x1024xf32, #tpu.memory_space<vmem_shared>>
    %dma_wait3A_162 = tpu.memref_squeeze %dma_wait3A_161 : memref<1x1x8x1024xf32, #tpu.memory_space<vmem_shared>> -> memref<8x1024xf32, #tpu.memory_space<vmem_shared>>
    %dma_wait3A_163 = arith.constant 0 : i32
    %dma_wait3A_164 = arith.constant 0 : i32
    %dma_wait3A_165 = tpu.memref_slice %arg7[%arg1, %dma_wait3A_154, %dma_wait3A_163, %dma_wait3A_164] : memref<16x4x8x1024xf32, #tpu.memory_space<vmem_shared>> -> memref<1x1x8x1024xf32, #tpu.memory_space<vmem_shared>>
    %dma_wait3A_166 = tpu.memref_squeeze %dma_wait3A_165 : memref<1x1x8x1024xf32, #tpu.memory_space<vmem_shared>> -> memref<8x1024xf32, #tpu.memory_space<vmem_shared>>
    %dma_wait3A_167 = arith.constant 0 : i32
    %dma_wait3A_168 = arith.constant 0 : i32
    %dma_wait3A_169 = tpu.memref_slice %arg6[%dma_wait3A_153, %dma_wait3A_167, %dma_wait3A_168] : memref<4x8x1024xf32, #tpu.memory_space<vmem>> -> memref<1x8x1024xf32, #tpu.memory_space<vmem>>
    %dma_wait3A_170 = tpu.memref_squeeze %dma_wait3A_169 : memref<1x8x1024xf32, #tpu.memory_space<vmem>> -> memref<8x1024xf32, #tpu.memory_space<vmem>>
    tpu.wait_dma2 semaphore(%arg12 : memref<!tpu.dma_semaphore, #tpu.memory_space<semaphore_mem>>) src(%dma_wait3A_170 : memref<8x1024xf32, #tpu.memory_space<vmem>>) dst(%dma_wait3A_166 : memref<8x1024xf32, #tpu.memory_space<vmem_shared>>)
    %add3A_171 = arith.constant 0 : i32
    %add3A_172 = arith.addi %mul3A_2, %add3A_171 : i32
    %dma_start3A_173 = arith.constant 0 : i32
    %dma_start3A_174 = arith.constant 0 : i32
    %dma_start3A_175 = tpu.memref_slice %arg4[%add3A_172, %dma_start3A_174] : memref<51200x1024xf32, #tpu.memory_space<hbm>> -> memref<8x1024xf32, #tpu.memory_space<hbm>>
    %dma_start3A_176 = arith.constant 0 : i32
    %dma_start3A_177 = arith.constant 0 : i32
    %dma_start3A_178 = tpu.memref_slice %arg7[%arg1, %dma_start3A_173, %dma_start3A_176, %dma_start3A_177] : memref<16x4x8x1024xf32, #tpu.memory_space<vmem_shared>> -> memref<1x1x8x1024xf32, #tpu.memory_space<vmem_shared>>
    %dma_start3A_179 = tpu.memref_squeeze %dma_start3A_178 : memref<1x1x8x1024xf32, #tpu.memory_space<vmem_shared>> -> memref<8x1024xf32, #tpu.memory_space<vmem_shared>>
    tpu.enqueue_dma source(%dma_start3A_179 : memref<8x1024xf32, #tpu.memory_space<vmem_shared>>) target(%dma_start3A_175 : memref<8x1024xf32, #tpu.memory_space<hbm>>) target_semaphore(%arg16 : memref<!tpu.dma_semaphore, #tpu.memory_space<semaphore_mem>>)
    %dma_start3A_180 = arith.constant 0 : i32
    %dma_start3A_181 = arith.constant 0 : i32
    %dma_start3A_182 = arith.constant 0 : i32
    %dma_start3A_183 = tpu.memref_slice %arg6[%dma_start3A_180, %dma_start3A_181, %dma_start3A_182] : memref<4x8x1024xf32, #tpu.memory_space<vmem>> -> memref<1x8x1024xf32, #tpu.memory_space<vmem>>
    %dma_start3A_184 = tpu.memref_squeeze %dma_start3A_183 : memref<1x8x1024xf32, #tpu.memory_space<vmem>> -> memref<8x1024xf32, #tpu.memory_space<vmem>>
    %dma_start3A_185 = arith.constant 32 : i32
    %dma_start3A_186 = tpu.memref_slice %arg5[%dma_start3A_185] : memref<1600xi32, #tpu.memory_space<vmem>> -> memref<8xi32, #tpu.memory_space<vmem>>
    %dma_start3A_187 = arith.constant 0 : i32
    %dma_start3A_188 = arith.constant 0 : i32
    %dma_start3A_189 = tpu.memref_slice %arg3[%dma_start3A_187, %dma_start3A_188] : memref<100000x1024xf32, #tpu.memory_space<hbm>> -> memref<100000x1024xf32, #tpu.memory_space<hbm>>
    tpu.enqueue_indirect_dma source(%dma_start3A_189 : memref<100000x1024xf32, #tpu.memory_space<hbm>>) target(%dma_start3A_184 : memref<8x1024xf32, #tpu.memory_space<vmem>>) offsets(%dma_start3A_186 : memref<8xi32, #tpu.memory_space<vmem>>) semaphore(%arg8 : memref<!tpu.dma_semaphore, #tpu.memory_space<semaphore_mem>>)
    %dma_wait3A_190 = arith.constant 1 : i32
    %dma_wait3A_191 = arith.constant 1 : i32
    %dma_wait3A_192 = arith.constant 0 : i32
    %dma_wait3A_193 = arith.constant 0 : i32
    %dma_wait3A_194 = tpu.memref_slice %arg6[%dma_wait3A_190, %dma_wait3A_192, %dma_wait3A_193] : memref<4x8x1024xf32, #tpu.memory_space<vmem>> -> memref<1x8x1024xf32, #tpu.memory_space<vmem>>
    %dma_wait3A_195 = tpu.memref_squeeze %dma_wait3A_194 : memref<1x8x1024xf32, #tpu.memory_space<vmem>> -> memref<8x1024xf32, #tpu.memory_space<vmem>>
    %dma_wait3A_196 = arith.constant 0 : i32
    %dma_wait3A_197 = arith.constant 0 : i32
    %dma_wait3A_198 = tpu.memref_slice %arg7[%arg1, %dma_wait3A_191, %dma_wait3A_196, %dma_wait3A_197] : memref<16x4x8x1024xf32, #tpu.memory_space<vmem_shared>> -> memref<1x1x8x1024xf32, #tpu.memory_space<vmem_shared>>
    %dma_wait3A_199 = tpu.memref_squeeze %dma_wait3A_198 : memref<1x1x8x1024xf32, #tpu.memory_space<vmem_shared>> -> memref<8x1024xf32, #tpu.memory_space<vmem_shared>>
    %dma_wait3A_200 = arith.constant 0 : i32
    %dma_wait3A_201 = arith.constant 0 : i32
    %dma_wait3A_202 = tpu.memref_slice %arg7[%arg1, %dma_wait3A_191, %dma_wait3A_200, %dma_wait3A_201] : memref<16x4x8x1024xf32, #tpu.memory_space<vmem_shared>> -> memref<1x1x8x1024xf32, #tpu.memory_space<vmem_shared>>
    %dma_wait3A_203 = tpu.memref_squeeze %dma_wait3A_202 : memref<1x1x8x1024xf32, #tpu.memory_space<vmem_shared>> -> memref<8x1024xf32, #tpu.memory_space<vmem_shared>>
    %dma_wait3A_204 = arith.constant 0 : i32
    %dma_wait3A_205 = arith.constant 0 : i32
    %dma_wait3A_206 = tpu.memref_slice %arg6[%dma_wait3A_190, %dma_wait3A_204, %dma_wait3A_205] : memref<4x8x1024xf32, #tpu.memory_space<vmem>> -> memref<1x8x1024xf32, #tpu.memory_space<vmem>>
    %dma_wait3A_207 = tpu.memref_squeeze %dma_wait3A_206 : memref<1x8x1024xf32, #tpu.memory_space<vmem>> -> memref<8x1024xf32, #tpu.memory_space<vmem>>
    tpu.wait_dma2 semaphore(%arg13 : memref<!tpu.dma_semaphore, #tpu.memory_space<semaphore_mem>>) src(%dma_wait3A_207 : memref<8x1024xf32, #tpu.memory_space<vmem>>) dst(%dma_wait3A_203 : memref<8x1024xf32, #tpu.memory_space<vmem_shared>>)
    %add3A_208 = arith.constant 8 : i32
    %add3A_209 = arith.addi %mul3A_2, %add3A_208 : i32
    %dma_start3A_210 = arith.constant 1 : i32
    %dma_start3A_211 = arith.constant 0 : i32
    %dma_start3A_212 = tpu.memref_slice %arg4[%add3A_209, %dma_start3A_211] : memref<51200x1024xf32, #tpu.memory_space<hbm>> -> memref<8x1024xf32, #tpu.memory_space<hbm>>
    %dma_start3A_213 = arith.constant 0 : i32
    %dma_start3A_214 = arith.constant 0 : i32
    %dma_start3A_215 = tpu.memref_slice %arg7[%arg1, %dma_start3A_210, %dma_start3A_213, %dma_start3A_214] : memref<16x4x8x1024xf32, #tpu.memory_space<vmem_shared>> -> memref<1x1x8x1024xf32, #tpu.memory_space<vmem_shared>>
    %dma_start3A_216 = tpu.memref_squeeze %dma_start3A_215 : memref<1x1x8x1024xf32, #tpu.memory_space<vmem_shared>> -> memref<8x1024xf32, #tpu.memory_space<vmem_shared>>
    tpu.enqueue_dma source(%dma_start3A_216 : memref<8x1024xf32, #tpu.memory_space<vmem_shared>>) target(%dma_start3A_212 : memref<8x1024xf32, #tpu.memory_space<hbm>>) target_semaphore(%arg17 : memref<!tpu.dma_semaphore, #tpu.memory_space<semaphore_mem>>)
    %dma_start3A_217 = arith.constant 1 : i32
    %dma_start3A_218 = arith.constant 0 : i32
    %dma_start3A_219 = arith.constant 0 : i32
    %dma_start3A_220 = tpu.memref_slice %arg6[%dma_start3A_217, %dma_start3A_218, %dma_start3A_219] : memref<4x8x1024xf32, #tpu.memory_space<vmem>> -> memref<1x8x1024xf32, #tpu.memory_space<vmem>>
    %dma_start3A_221 = tpu.memref_squeeze %dma_start3A_220 : memref<1x8x1024xf32, #tpu.memory_space<vmem>> -> memref<8x1024xf32, #tpu.memory_space<vmem>>
    %dma_start3A_222 = arith.constant 40 : i32
    %dma_start3A_223 = tpu.memref_slice %arg5[%dma_start3A_222] : memref<1600xi32, #tpu.memory_space<vmem>> -> memref<8xi32, #tpu.memory_space<vmem>>
    %dma_start3A_224 = arith.constant 0 : i32
    %dma_start3A_225 = arith.constant 0 : i32
    %dma_start3A_226 = tpu.memref_slice %arg3[%dma_start3A_224, %dma_start3A_225] : memref<100000x1024xf32, #tpu.memory_space<hbm>> -> memref<100000x1024xf32, #tpu.memory_space<hbm>>
    tpu.enqueue_indirect_dma source(%dma_start3A_226 : memref<100000x1024xf32, #tpu.memory_space<hbm>>) target(%dma_start3A_221 : memref<8x1024xf32, #tpu.memory_space<vmem>>) offsets(%dma_start3A_223 : memref<8xi32, #tpu.memory_space<vmem>>) semaphore(%arg9 : memref<!tpu.dma_semaphore, #tpu.memory_space<semaphore_mem>>)
    %dma_wait3A_227 = arith.constant 2 : i32
    %dma_wait3A_228 = arith.constant 2 : i32
    %dma_wait3A_229 = arith.constant 0 : i32
    %dma_wait3A_230 = arith.constant 0 : i32
    %dma_wait3A_231 = tpu.memref_slice %arg6[%dma_wait3A_227, %dma_wait3A_229, %dma_wait3A_230] : memref<4x8x1024xf32, #tpu.memory_space<vmem>> -> memref<1x8x1024xf32, #tpu.memory_space<vmem>>
    %dma_wait3A_232 = tpu.memref_squeeze %dma_wait3A_231 : memref<1x8x1024xf32, #tpu.memory_space<vmem>> -> memref<8x1024xf32, #tpu.memory_space<vmem>>
    %dma_wait3A_233 = arith.constant 0 : i32
    %dma_wait3A_234 = arith.constant 0 : i32
    %dma_wait3A_235 = tpu.memref_slice %arg7[%arg1, %dma_wait3A_228, %dma_wait3A_233, %dma_wait3A_234] : memref<16x4x8x1024xf32, #tpu.memory_space<vmem_shared>> -> memref<1x1x8x1024xf32, #tpu.memory_space<vmem_shared>>
    %dma_wait3A_236 = tpu.memref_squeeze %dma_wait3A_235 : memref<1x1x8x1024xf32, #tpu.memory_space<vmem_shared>> -> memref<8x1024xf32, #tpu.memory_space<vmem_shared>>
    %dma_wait3A_237 = arith.constant 0 : i32
    %dma_wait3A_238 = arith.constant 0 : i32
    %dma_wait3A_239 = tpu.memref_slice %arg7[%arg1, %dma_wait3A_228, %dma_wait3A_237, %dma_wait3A_238] : memref<16x4x8x1024xf32, #tpu.memory_space<vmem_shared>> -> memref<1x1x8x1024xf32, #tpu.memory_space<vmem_shared>>
    %dma_wait3A_240 = tpu.memref_squeeze %dma_wait3A_239 : memref<1x1x8x1024xf32, #tpu.memory_space<vmem_shared>> -> memref<8x1024xf32, #tpu.memory_space<vmem_shared>>
    %dma_wait3A_241 = arith.constant 0 : i32
    %dma_wait3A_242 = arith.constant 0 : i32
    %dma_wait3A_243 = tpu.memref_slice %arg6[%dma_wait3A_227, %dma_wait3A_241, %dma_wait3A_242] : memref<4x8x1024xf32, #tpu.memory_space<vmem>> -> memref<1x8x1024xf32, #tpu.memory_space<vmem>>
    %dma_wait3A_244 = tpu.memref_squeeze %dma_wait3A_243 : memref<1x8x1024xf32, #tpu.memory_space<vmem>> -> memref<8x1024xf32, #tpu.memory_space<vmem>>
    tpu.wait_dma2 semaphore(%arg14 : memref<!tpu.dma_semaphore, #tpu.memory_space<semaphore_mem>>) src(%dma_wait3A_244 : memref<8x1024xf32, #tpu.memory_space<vmem>>) dst(%dma_wait3A_240 : memref<8x1024xf32, #tpu.memory_space<vmem_shared>>)
    %add3A_245 = arith.constant 16 : i32
    %add3A_246 = arith.addi %mul3A_2, %add3A_245 : i32
    %dma_start3A_247 = arith.constant 2 : i32
    %dma_start3A_248 = arith.constant 0 : i32
    %dma_start3A_249 = tpu.memref_slice %arg4[%add3A_246, %dma_start3A_248] : memref<51200x1024xf32, #tpu.memory_space<hbm>> -> memref<8x1024xf32, #tpu.memory_space<hbm>>
    %dma_start3A_250 = arith.constant 0 : i32
    %dma_start3A_251 = arith.constant 0 : i32
    %dma_start3A_252 = tpu.memref_slice %arg7[%arg1, %dma_start3A_247, %dma_start3A_250, %dma_start3A_251] : memref<16x4x8x1024xf32, #tpu.memory_space<vmem_shared>> -> memref<1x1x8x1024xf32, #tpu.memory_space<vmem_shared>>
    %dma_start3A_253 = tpu.memref_squeeze %dma_start3A_252 : memref<1x1x8x1024xf32, #tpu.memory_space<vmem_shared>> -> memref<8x1024xf32, #tpu.memory_space<vmem_shared>>
    tpu.enqueue_dma source(%dma_start3A_253 : memref<8x1024xf32, #tpu.memory_space<vmem_shared>>) target(%dma_start3A_249 : memref<8x1024xf32, #tpu.memory_space<hbm>>) target_semaphore(%arg18 : memref<!tpu.dma_semaphore, #tpu.memory_space<semaphore_mem>>)
    %dma_start3A_254 = arith.constant 2 : i32
    %dma_start3A_255 = arith.constant 0 : i32
    %dma_start3A_256 = arith.constant 0 : i32
    %dma_start3A_257 = tpu.memref_slice %arg6[%dma_start3A_254, %dma_start3A_255, %dma_start3A_256] : memref<4x8x1024xf32, #tpu.memory_space<vmem>> -> memref<1x8x1024xf32, #tpu.memory_space<vmem>>
    %dma_start3A_258 = tpu.memref_squeeze %dma_start3A_257 : memref<1x8x1024xf32, #tpu.memory_space<vmem>> -> memref<8x1024xf32, #tpu.memory_space<vmem>>
    %dma_start3A_259 = arith.constant 48 : i32
    %dma_start3A_260 = tpu.memref_slice %arg5[%dma_start3A_259] : memref<1600xi32, #tpu.memory_space<vmem>> -> memref<8xi32, #tpu.memory_space<vmem>>
    %dma_start3A_261 = arith.constant 0 : i32
    %dma_start3A_262 = arith.constant 0 : i32
    %dma_start3A_263 = tpu.memref_slice %arg3[%dma_start3A_261, %dma_start3A_262] : memref<100000x1024xf32, #tpu.memory_space<hbm>> -> memref<100000x1024xf32, #tpu.memory_space<hbm>>
    tpu.enqueue_indirect_dma source(%dma_start3A_263 : memref<100000x1024xf32, #tpu.memory_space<hbm>>) target(%dma_start3A_258 : memref<8x1024xf32, #tpu.memory_space<vmem>>) offsets(%dma_start3A_260 : memref<8xi32, #tpu.memory_space<vmem>>) semaphore(%arg10 : memref<!tpu.dma_semaphore, #tpu.memory_space<semaphore_mem>>)
    %dma_wait3A_264 = arith.constant 3 : i32
    %dma_wait3A_265 = arith.constant 3 : i32
    %dma_wait3A_266 = arith.constant 0 : i32
    %dma_wait3A_267 = arith.constant 0 : i32
    %dma_wait3A_268 = tpu.memref_slice %arg6[%dma_wait3A_264, %dma_wait3A_266, %dma_wait3A_267] : memref<4x8x1024xf32, #tpu.memory_space<vmem>> -> memref<1x8x1024xf32, #tpu.memory_space<vmem>>
    %dma_wait3A_269 = tpu.memref_squeeze %dma_wait3A_268 : memref<1x8x1024xf32, #tpu.memory_space<vmem>> -> memref<8x1024xf32, #tpu.memory_space<vmem>>
    %dma_wait3A_270 = arith.constant 0 : i32
    %dma_wait3A_271 = arith.constant 0 : i32
    %dma_wait3A_272 = tpu.memref_slice %arg7[%arg1, %dma_wait3A_265, %dma_wait3A_270, %dma_wait3A_271] : memref<16x4x8x1024xf32, #tpu.memory_space<vmem_shared>> -> memref<1x1x8x1024xf32, #tpu.memory_space<vmem_shared>>
    %dma_wait3A_273 = tpu.memref_squeeze %dma_wait3A_272 : memref<1x1x8x1024xf32, #tpu.memory_space<vmem_shared>> -> memref<8x1024xf32, #tpu.memory_space<vmem_shared>>
    %dma_wait3A_274 = arith.constant 0 : i32
    %dma_wait3A_275 = arith.constant 0 : i32
    %dma_wait3A_276 = tpu.memref_slice %arg7[%arg1, %dma_wait3A_265, %dma_wait3A_274, %dma_wait3A_275] : memref<16x4x8x1024xf32, #tpu.memory_space<vmem_shared>> -> memref<1x1x8x1024xf32, #tpu.memory_space<vmem_shared>>
    %dma_wait3A_277 = tpu.memref_squeeze %dma_wait3A_276 : memref<1x1x8x1024xf32, #tpu.memory_space<vmem_shared>> -> memref<8x1024xf32, #tpu.memory_space<vmem_shared>>
    %dma_wait3A_278 = arith.constant 0 : i32
    %dma_wait3A_279 = arith.constant 0 : i32
    %dma_wait3A_280 = tpu.memref_slice %arg6[%dma_wait3A_264, %dma_wait3A_278, %dma_wait3A_279] : memref<4x8x1024xf32, #tpu.memory_space<vmem>> -> memref<1x8x1024xf32, #tpu.memory_space<vmem>>
    %dma_wait3A_281 = tpu.memref_squeeze %dma_wait3A_280 : memref<1x8x1024xf32, #tpu.memory_space<vmem>> -> memref<8x1024xf32, #tpu.memory_space<vmem>>
    tpu.wait_dma2 semaphore(%arg15 : memref<!tpu.dma_semaphore, #tpu.memory_space<semaphore_mem>>) src(%dma_wait3A_281 : memref<8x1024xf32, #tpu.memory_space<vmem>>) dst(%dma_wait3A_277 : memref<8x1024xf32, #tpu.memory_space<vmem_shared>>)
    %add3A_282 = arith.constant 24 : i32
    %add3A_283 = arith.addi %mul3A_2, %add3A_282 : i32
    %dma_start3A_284 = arith.constant 3 : i32
    %dma_start3A_285 = arith.constant 0 : i32
    %dma_start3A_286 = tpu.memref_slice %arg4[%add3A_283, %dma_start3A_285] : memref<51200x1024xf32, #tpu.memory_space<hbm>> -> memref<8x1024xf32, #tpu.memory_space<hbm>>
    %dma_start3A_287 = arith.constant 0 : i32
    %dma_start3A_288 = arith.constant 0 : i32
    %dma_start3A_289 = tpu.memref_slice %arg7[%arg1, %dma_start3A_284, %dma_start3A_287, %dma_start3A_288] : memref<16x4x8x1024xf32, #tpu.memory_space<vmem_shared>> -> memref<1x1x8x1024xf32, #tpu.memory_space<vmem_shared>>
    %dma_start3A_290 = tpu.memref_squeeze %dma_start3A_289 : memref<1x1x8x1024xf32, #tpu.memory_space<vmem_shared>> -> memref<8x1024xf32, #tpu.memory_space<vmem_shared>>
    tpu.enqueue_dma source(%dma_start3A_290 : memref<8x1024xf32, #tpu.memory_space<vmem_shared>>) target(%dma_start3A_286 : memref<8x1024xf32, #tpu.memory_space<hbm>>) target_semaphore(%arg19 : memref<!tpu.dma_semaphore, #tpu.memory_space<semaphore_mem>>)
    %dma_start3A_291 = arith.constant 3 : i32
    %dma_start3A_292 = arith.constant 0 : i32
    %dma_start3A_293 = arith.constant 0 : i32
    %dma_start3A_294 = tpu.memref_slice %arg6[%dma_start3A_291, %dma_start3A_292, %dma_start3A_293] : memref<4x8x1024xf32, #tpu.memory_space<vmem>> -> memref<1x8x1024xf32, #tpu.memory_space<vmem>>
    %dma_start3A_295 = tpu.memref_squeeze %dma_start3A_294 : memref<1x8x1024xf32, #tpu.memory_space<vmem>> -> memref<8x1024xf32, #tpu.memory_space<vmem>>
    %dma_start3A_296 = arith.constant 56 : i32
    %dma_start3A_297 = tpu.memref_slice %arg5[%dma_start3A_296] : memref<1600xi32, #tpu.memory_space<vmem>> -> memref<8xi32, #tpu.memory_space<vmem>>
    %dma_start3A_298 = arith.constant 0 : i32
    %dma_start3A_299 = arith.constant 0 : i32
    %dma_start3A_300 = tpu.memref_slice %arg3[%dma_start3A_298, %dma_start3A_299] : memref<100000x1024xf32, #tpu.memory_space<hbm>> -> memref<100000x1024xf32, #tpu.memory_space<hbm>>
    tpu.enqueue_indirect_dma source(%dma_start3A_300 : memref<100000x1024xf32, #tpu.memory_space<hbm>>) target(%dma_start3A_295 : memref<8x1024xf32, #tpu.memory_space<vmem>>) offsets(%dma_start3A_297 : memref<8xi32, #tpu.memory_space<vmem>>) semaphore(%arg11 : memref<!tpu.dma_semaphore, #tpu.memory_space<semaphore_mem>>)
    %scan3A = arith.constant 0 : i32
    %scan3A_301 = arith.constant 48 : i32
    %scan3A_302 = arith.addi %scan3A, %scan3A_301 : i32
    %scan3A_303 = arith.constant 1 : i32
    scf.for %scan3A_597 = %scan3A to %scan3A_302 step %scan3A_303  : i32 {
      %mul3A_598 = arith.constant 4 : i32
      %mul3A_599 = arith.muli %scan3A_597, %mul3A_598 : i32
      %add3A_600 = arith.constant 4 : i32
      %add3A_601 = arith.addi %add3A_600, %mul3A_599 : i32
      %add3A_602 = arith.constant 0 : i32
      %add3A_603 = arith.addi %add3A_601, %add3A_602 : i32
      %mul3A_604 = arith.constant 8 : i32
      %mul3A_605 = arith.muli %add3A_603, %mul3A_604 : i32
      %dma_wait3A_606 = arith.constant 0 : i32
      %dma_wait3A_607 = arith.constant 0 : i32
      %dma_wait3A_608 = arith.constant 0 : i32
      %dma_wait3A_609 = tpu.memref_slice %arg6[%dma_wait3A_606, %dma_wait3A_607, %dma_wait3A_608] : memref<4x8x1024xf32, #tpu.memory_space<vmem>> -> memref<1x8x1024xf32, #tpu.memory_space<vmem>>
      %dma_wait3A_610 = tpu.memref_squeeze %dma_wait3A_609 : memref<1x8x1024xf32, #tpu.memory_space<vmem>> -> memref<8x1024xf32, #tpu.memory_space<vmem>>
      %dma_wait3A_611 = tpu.memref_slice %arg5[%mul3A_605] : memref<1600xi32, #tpu.memory_space<vmem>> -> memref<8xi32, #tpu.memory_space<vmem>>
      %dma_wait3A_612 = arith.constant 0 : i32
      %dma_wait3A_613 = arith.constant 0 : i32
      %dma_wait3A_614 = tpu.memref_slice %arg3[%dma_wait3A_612, %dma_wait3A_613] : memref<100000x1024xf32, #tpu.memory_space<hbm>> -> memref<100000x1024xf32, #tpu.memory_space<hbm>>
      tpu.wait_indirect_dma semaphore(%arg8 : memref<!tpu.dma_semaphore, #tpu.memory_space<semaphore_mem>>) src(%dma_wait3A_614 : memref<100000x1024xf32, #tpu.memory_space<hbm>>) dst(%dma_wait3A_610 : memref<8x1024xf32, #tpu.memory_space<vmem>>)
      %sub3A = arith.constant 4 : i32
      %sub3A_615 = arith.subi %add3A_601, %sub3A : i32
      %add3A_616 = arith.constant 0 : i32
      %add3A_617 = arith.addi %sub3A_615, %add3A_616 : i32
      %mul3A_618 = arith.constant 8 : i32
      %mul3A_619 = arith.muli %add3A_617, %mul3A_618 : i32
      %add3A_620 = arith.addi %mul3A_2, %mul3A_619 : i32
      %dma_wait3A_621 = arith.constant 0 : i32
      %dma_wait3A_622 = arith.constant 0 : i32
      %dma_wait3A_623 = tpu.memref_slice %arg4[%add3A_620, %dma_wait3A_622] : memref<51200x1024xf32, #tpu.memory_space<hbm>> -> memref<8x1024xf32, #tpu.memory_space<hbm>>
      %dma_wait3A_624 = arith.constant 0 : i32
      %dma_wait3A_625 = arith.constant 0 : i32
      %dma_wait3A_626 = tpu.memref_slice %arg7[%arg1, %dma_wait3A_621, %dma_wait3A_624, %dma_wait3A_625] : memref<16x4x8x1024xf32, #tpu.memory_space<vmem_shared>> -> memref<1x1x8x1024xf32, #tpu.memory_space<vmem_shared>>
      %dma_wait3A_627 = tpu.memref_squeeze %dma_wait3A_626 : memref<1x1x8x1024xf32, #tpu.memory_space<vmem_shared>> -> memref<8x1024xf32, #tpu.memory_space<vmem_shared>>
      tpu.wait_dma2 semaphore(%arg16 : memref<!tpu.dma_semaphore, #tpu.memory_space<semaphore_mem>>) src(%dma_wait3A_627 : memref<8x1024xf32, #tpu.memory_space<vmem_shared>>) dst(%dma_wait3A_623 : memref<8x1024xf32, #tpu.memory_space<hbm>>)
      %dma_start3A_628 = arith.constant 0 : i32
      %dma_start3A_629 = arith.constant 0 : i32
      %dma_start3A_630 = arith.constant 0 : i32
      %dma_start3A_631 = arith.constant 0 : i32
      %dma_start3A_632 = tpu.memref_slice %arg6[%dma_start3A_628, %dma_start3A_630, %dma_start3A_631] : memref<4x8x1024xf32, #tpu.memory_space<vmem>> -> memref<1x8x1024xf32, #tpu.memory_space<vmem>>
      %dma_start3A_633 = tpu.memref_squeeze %dma_start3A_632 : memref<1x8x1024xf32, #tpu.memory_space<vmem>> -> memref<8x1024xf32, #tpu.memory_space<vmem>>
      %dma_start3A_634 = arith.constant 0 : i32
      %dma_start3A_635 = arith.constant 0 : i32
      %dma_start3A_636 = tpu.memref_slice %arg7[%arg1, %dma_start3A_629, %dma_start3A_634, %dma_start3A_635] : memref<16x4x8x1024xf32, #tpu.memory_space<vmem_shared>> -> memref<1x1x8x1024xf32, #tpu.memory_space<vmem_shared>>
      %dma_start3A_637 = tpu.memref_squeeze %dma_start3A_636 : memref<1x1x8x1024xf32, #tpu.memory_space<vmem_shared>> -> memref<8x1024xf32, #tpu.memory_space<vmem_shared>>
      %dma_start3A_638 = arith.constant 0 : i32
      %dma_start3A_639 = arith.constant 0 : i32
      %dma_start3A_640 = tpu.memref_slice %arg7[%arg1, %dma_start3A_629, %dma_start3A_638, %dma_start3A_639] : memref<16x4x8x1024xf32, #tpu.memory_space<vmem_shared>> -> memref<1x1x8x1024xf32, #tpu.memory_space<vmem_shared>>
      %dma_start3A_641 = tpu.memref_squeeze %dma_start3A_640 : memref<1x1x8x1024xf32, #tpu.memory_space<vmem_shared>> -> memref<8x1024xf32, #tpu.memory_space<vmem_shared>>
      %dma_start3A_642 = arith.constant 0 : i32
      %dma_start3A_643 = arith.constant 0 : i32
      %dma_start3A_644 = tpu.memref_slice %arg6[%dma_start3A_628, %dma_start3A_642, %dma_start3A_643] : memref<4x8x1024xf32, #tpu.memory_space<vmem>> -> memref<1x8x1024xf32, #tpu.memory_space<vmem>>
      %dma_start3A_645 = tpu.memref_squeeze %dma_start3A_644 : memref<1x8x1024xf32, #tpu.memory_space<vmem>> -> memref<8x1024xf32, #tpu.memory_space<vmem>>
      tpu.enqueue_dma source(%dma_start3A_645 : memref<8x1024xf32, #tpu.memory_space<vmem>>) target(%dma_start3A_641 : memref<8x1024xf32, #tpu.memory_space<vmem_shared>>) target_semaphore(%arg12 : memref<!tpu.dma_semaphore, #tpu.memory_space<semaphore_mem>>)
      %add3A_646 = arith.constant 1 : i32
      %add3A_647 = arith.addi %add3A_601, %add3A_646 : i32
      %mul3A_648 = arith.constant 8 : i32
      %mul3A_649 = arith.muli %add3A_647, %mul3A_648 : i32
      %dma_wait3A_650 = arith.constant 1 : i32
      %dma_wait3A_651 = arith.constant 0 : i32
      %dma_wait3A_652 = arith.constant 0 : i32
      %dma_wait3A_653 = tpu.memref_slice %arg6[%dma_wait3A_650, %dma_wait3A_651, %dma_wait3A_652] : memref<4x8x1024xf32, #tpu.memory_space<vmem>> -> memref<1x8x1024xf32, #tpu.memory_space<vmem>>
      %dma_wait3A_654 = tpu.memref_squeeze %dma_wait3A_653 : memref<1x8x1024xf32, #tpu.memory_space<vmem>> -> memref<8x1024xf32, #tpu.memory_space<vmem>>
      %dma_wait3A_655 = tpu.memref_slice %arg5[%mul3A_649] : memref<1600xi32, #tpu.memory_space<vmem>> -> memref<8xi32, #tpu.memory_space<vmem>>
      %dma_wait3A_656 = arith.constant 0 : i32
      %dma_wait3A_657 = arith.constant 0 : i32
      %dma_wait3A_658 = tpu.memref_slice %arg3[%dma_wait3A_656, %dma_wait3A_657] : memref<100000x1024xf32, #tpu.memory_space<hbm>> -> memref<100000x1024xf32, #tpu.memory_space<hbm>>
      tpu.wait_indirect_dma semaphore(%arg9 : memref<!tpu.dma_semaphore, #tpu.memory_space<semaphore_mem>>) src(%dma_wait3A_658 : memref<100000x1024xf32, #tpu.memory_space<hbm>>) dst(%dma_wait3A_654 : memref<8x1024xf32, #tpu.memory_space<vmem>>)
      %sub3A_659 = arith.constant 4 : i32
      %sub3A_660 = arith.subi %add3A_601, %sub3A_659 : i32
      %add3A_661 = arith.constant 1 : i32
      %add3A_662 = arith.addi %sub3A_660, %add3A_661 : i32
      %mul3A_663 = arith.constant 8 : i32
      %mul3A_664 = arith.muli %add3A_662, %mul3A_663 : i32
      %add3A_665 = arith.addi %mul3A_2, %mul3A_664 : i32
      %dma_wait3A_666 = arith.constant 1 : i32
      %dma_wait3A_667 = arith.constant 0 : i32
      %dma_wait3A_668 = tpu.memref_slice %arg4[%add3A_665, %dma_wait3A_667] : memref<51200x1024xf32, #tpu.memory_space<hbm>> -> memref<8x1024xf32, #tpu.memory_space<hbm>>
      %dma_wait3A_669 = arith.constant 0 : i32
      %dma_wait3A_670 = arith.constant 0 : i32
      %dma_wait3A_671 = tpu.memref_slice %arg7[%arg1, %dma_wait3A_666, %dma_wait3A_669, %dma_wait3A_670] : memref<16x4x8x1024xf32, #tpu.memory_space<vmem_shared>> -> memref<1x1x8x1024xf32, #tpu.memory_space<vmem_shared>>
      %dma_wait3A_672 = tpu.memref_squeeze %dma_wait3A_671 : memref<1x1x8x1024xf32, #tpu.memory_space<vmem_shared>> -> memref<8x1024xf32, #tpu.memory_space<vmem_shared>>
      tpu.wait_dma2 semaphore(%arg17 : memref<!tpu.dma_semaphore, #tpu.memory_space<semaphore_mem>>) src(%dma_wait3A_672 : memref<8x1024xf32, #tpu.memory_space<vmem_shared>>) dst(%dma_wait3A_668 : memref<8x1024xf32, #tpu.memory_space<hbm>>)
      %dma_start3A_673 = arith.constant 1 : i32
      %dma_start3A_674 = arith.constant 1 : i32
      %dma_start3A_675 = arith.constant 0 : i32
      %dma_start3A_676 = arith.constant 0 : i32
      %dma_start3A_677 = tpu.memref_slice %arg6[%dma_start3A_673, %dma_start3A_675, %dma_start3A_676] : memref<4x8x1024xf32, #tpu.memory_space<vmem>> -> memref<1x8x1024xf32, #tpu.memory_space<vmem>>
      %dma_start3A_678 = tpu.memref_squeeze %dma_start3A_677 : memref<1x8x1024xf32, #tpu.memory_space<vmem>> -> memref<8x1024xf32, #tpu.memory_space<vmem>>
      %dma_start3A_679 = arith.constant 0 : i32
      %dma_start3A_680 = arith.constant 0 : i32
      %dma_start3A_681 = tpu.memref_slice %arg7[%arg1, %dma_start3A_674, %dma_start3A_679, %dma_start3A_680] : memref<16x4x8x1024xf32, #tpu.memory_space<vmem_shared>> -> memref<1x1x8x1024xf32, #tpu.memory_space<vmem_shared>>
      %dma_start3A_682 = tpu.memref_squeeze %dma_start3A_681 : memref<1x1x8x1024xf32, #tpu.memory_space<vmem_shared>> -> memref<8x1024xf32, #tpu.memory_space<vmem_shared>>
      %dma_start3A_683 = arith.constant 0 : i32
      %dma_start3A_684 = arith.constant 0 : i32
      %dma_start3A_685 = tpu.memref_slice %arg7[%arg1, %dma_start3A_674, %dma_start3A_683, %dma_start3A_684] : memref<16x4x8x1024xf32, #tpu.memory_space<vmem_shared>> -> memref<1x1x8x1024xf32, #tpu.memory_space<vmem_shared>>
      %dma_start3A_686 = tpu.memref_squeeze %dma_start3A_685 : memref<1x1x8x1024xf32, #tpu.memory_space<vmem_shared>> -> memref<8x1024xf32, #tpu.memory_space<vmem_shared>>
      %dma_start3A_687 = arith.constant 0 : i32
      %dma_start3A_688 = arith.constant 0 : i32
      %dma_start3A_689 = tpu.memref_slice %arg6[%dma_start3A_673, %dma_start3A_687, %dma_start3A_688] : memref<4x8x1024xf32, #tpu.memory_space<vmem>> -> memref<1x8x1024xf32, #tpu.memory_space<vmem>>
      %dma_start3A_690 = tpu.memref_squeeze %dma_start3A_689 : memref<1x8x1024xf32, #tpu.memory_space<vmem>> -> memref<8x1024xf32, #tpu.memory_space<vmem>>
      tpu.enqueue_dma source(%dma_start3A_690 : memref<8x1024xf32, #tpu.memory_space<vmem>>) target(%dma_start3A_686 : memref<8x1024xf32, #tpu.memory_space<vmem_shared>>) target_semaphore(%arg13 : memref<!tpu.dma_semaphore, #tpu.memory_space<semaphore_mem>>)
      %add3A_691 = arith.constant 2 : i32
      %add3A_692 = arith.addi %add3A_601, %add3A_691 : i32
      %mul3A_693 = arith.constant 8 : i32
      %mul3A_694 = arith.muli %add3A_692, %mul3A_693 : i32
      %dma_wait3A_695 = arith.constant 2 : i32
      %dma_wait3A_696 = arith.constant 0 : i32
      %dma_wait3A_697 = arith.constant 0 : i32
      %dma_wait3A_698 = tpu.memref_slice %arg6[%dma_wait3A_695, %dma_wait3A_696, %dma_wait3A_697] : memref<4x8x1024xf32, #tpu.memory_space<vmem>> -> memref<1x8x1024xf32, #tpu.memory_space<vmem>>
      %dma_wait3A_699 = tpu.memref_squeeze %dma_wait3A_698 : memref<1x8x1024xf32, #tpu.memory_space<vmem>> -> memref<8x1024xf32, #tpu.memory_space<vmem>>
      %dma_wait3A_700 = tpu.memref_slice %arg5[%mul3A_694] : memref<1600xi32, #tpu.memory_space<vmem>> -> memref<8xi32, #tpu.memory_space<vmem>>
      %dma_wait3A_701 = arith.constant 0 : i32
      %dma_wait3A_702 = arith.constant 0 : i32
      %dma_wait3A_703 = tpu.memref_slice %arg3[%dma_wait3A_701, %dma_wait3A_702] : memref<100000x1024xf32, #tpu.memory_space<hbm>> -> memref<100000x1024xf32, #tpu.memory_space<hbm>>
      tpu.wait_indirect_dma semaphore(%arg10 : memref<!tpu.dma_semaphore, #tpu.memory_space<semaphore_mem>>) src(%dma_wait3A_703 : memref<100000x1024xf32, #tpu.memory_space<hbm>>) dst(%dma_wait3A_699 : memref<8x1024xf32, #tpu.memory_space<vmem>>)
      %sub3A_704 = arith.constant 4 : i32
      %sub3A_705 = arith.subi %add3A_601, %sub3A_704 : i32
      %add3A_706 = arith.constant 2 : i32
      %add3A_707 = arith.addi %sub3A_705, %add3A_706 : i32
      %mul3A_708 = arith.constant 8 : i32
      %mul3A_709 = arith.muli %add3A_707, %mul3A_708 : i32
      %add3A_710 = arith.addi %mul3A_2, %mul3A_709 : i32
      %dma_wait3A_711 = arith.constant 2 : i32
      %dma_wait3A_712 = arith.constant 0 : i32
      %dma_wait3A_713 = tpu.memref_slice %arg4[%add3A_710, %dma_wait3A_712] : memref<51200x1024xf32, #tpu.memory_space<hbm>> -> memref<8x1024xf32, #tpu.memory_space<hbm>>
      %dma_wait3A_714 = arith.constant 0 : i32
      %dma_wait3A_715 = arith.constant 0 : i32
      %dma_wait3A_716 = tpu.memref_slice %arg7[%arg1, %dma_wait3A_711, %dma_wait3A_714, %dma_wait3A_715] : memref<16x4x8x1024xf32, #tpu.memory_space<vmem_shared>> -> memref<1x1x8x1024xf32, #tpu.memory_space<vmem_shared>>
      %dma_wait3A_717 = tpu.memref_squeeze %dma_wait3A_716 : memref<1x1x8x1024xf32, #tpu.memory_space<vmem_shared>> -> memref<8x1024xf32, #tpu.memory_space<vmem_shared>>
      tpu.wait_dma2 semaphore(%arg18 : memref<!tpu.dma_semaphore, #tpu.memory_space<semaphore_mem>>) src(%dma_wait3A_717 : memref<8x1024xf32, #tpu.memory_space<vmem_shared>>) dst(%dma_wait3A_713 : memref<8x1024xf32, #tpu.memory_space<hbm>>)
      %dma_start3A_718 = arith.constant 2 : i32
      %dma_start3A_719 = arith.constant 2 : i32
      %dma_start3A_720 = arith.constant 0 : i32
      %dma_start3A_721 = arith.constant 0 : i32
      %dma_start3A_722 = tpu.memref_slice %arg6[%dma_start3A_718, %dma_start3A_720, %dma_start3A_721] : memref<4x8x1024xf32, #tpu.memory_space<vmem>> -> memref<1x8x1024xf32, #tpu.memory_space<vmem>>
      %dma_start3A_723 = tpu.memref_squeeze %dma_start3A_722 : memref<1x8x1024xf32, #tpu.memory_space<vmem>> -> memref<8x1024xf32, #tpu.memory_space<vmem>>
      %dma_start3A_724 = arith.constant 0 : i32
      %dma_start3A_725 = arith.constant 0 : i32
      %dma_start3A_726 = tpu.memref_slice %arg7[%arg1, %dma_start3A_719, %dma_start3A_724, %dma_start3A_725] : memref<16x4x8x1024xf32, #tpu.memory_space<vmem_shared>> -> memref<1x1x8x1024xf32, #tpu.memory_space<vmem_shared>>
      %dma_start3A_727 = tpu.memref_squeeze %dma_start3A_726 : memref<1x1x8x1024xf32, #tpu.memory_space<vmem_shared>> -> memref<8x1024xf32, #tpu.memory_space<vmem_shared>>
      %dma_start3A_728 = arith.constant 0 : i32
      %dma_start3A_729 = arith.constant 0 : i32
      %dma_start3A_730 = tpu.memref_slice %arg7[%arg1, %dma_start3A_719, %dma_start3A_728, %dma_start3A_729] : memref<16x4x8x1024xf32, #tpu.memory_space<vmem_shared>> -> memref<1x1x8x1024xf32, #tpu.memory_space<vmem_shared>>
      %dma_start3A_731 = tpu.memref_squeeze %dma_start3A_730 : memref<1x1x8x1024xf32, #tpu.memory_space<vmem_shared>> -> memref<8x1024xf32, #tpu.memory_space<vmem_shared>>
      %dma_start3A_732 = arith.constant 0 : i32
      %dma_start3A_733 = arith.constant 0 : i32
      %dma_start3A_734 = tpu.memref_slice %arg6[%dma_start3A_718, %dma_start3A_732, %dma_start3A_733] : memref<4x8x1024xf32, #tpu.memory_space<vmem>> -> memref<1x8x1024xf32, #tpu.memory_space<vmem>>
      %dma_start3A_735 = tpu.memref_squeeze %dma_start3A_734 : memref<1x8x1024xf32, #tpu.memory_space<vmem>> -> memref<8x1024xf32, #tpu.memory_space<vmem>>
      tpu.enqueue_dma source(%dma_start3A_735 : memref<8x1024xf32, #tpu.memory_space<vmem>>) target(%dma_start3A_731 : memref<8x1024xf32, #tpu.memory_space<vmem_shared>>) target_semaphore(%arg14 : memref<!tpu.dma_semaphore, #tpu.memory_space<semaphore_mem>>)
      %add3A_736 = arith.constant 3 : i32
      %add3A_737 = arith.addi %add3A_601, %add3A_736 : i32
      %mul3A_738 = arith.constant 8 : i32
      %mul3A_739 = arith.muli %add3A_737, %mul3A_738 : i32
      %dma_wait3A_740 = arith.constant 3 : i32
      %dma_wait3A_741 = arith.constant 0 : i32
      %dma_wait3A_742 = arith.constant 0 : i32
      %dma_wait3A_743 = tpu.memref_slice %arg6[%dma_wait3A_740, %dma_wait3A_741, %dma_wait3A_742] : memref<4x8x1024xf32, #tpu.memory_space<vmem>> -> memref<1x8x1024xf32, #tpu.memory_space<vmem>>
      %dma_wait3A_744 = tpu.memref_squeeze %dma_wait3A_743 : memref<1x8x1024xf32, #tpu.memory_space<vmem>> -> memref<8x1024xf32, #tpu.memory_space<vmem>>
      %dma_wait3A_745 = tpu.memref_slice %arg5[%mul3A_739] : memref<1600xi32, #tpu.memory_space<vmem>> -> memref<8xi32, #tpu.memory_space<vmem>>
      %dma_wait3A_746 = arith.constant 0 : i32
      %dma_wait3A_747 = arith.constant 0 : i32
      %dma_wait3A_748 = tpu.memref_slice %arg3[%dma_wait3A_746, %dma_wait3A_747] : memref<100000x1024xf32, #tpu.memory_space<hbm>> -> memref<100000x1024xf32, #tpu.memory_space<hbm>>
      tpu.wait_indirect_dma semaphore(%arg11 : memref<!tpu.dma_semaphore, #tpu.memory_space<semaphore_mem>>) src(%dma_wait3A_748 : memref<100000x1024xf32, #tpu.memory_space<hbm>>) dst(%dma_wait3A_744 : memref<8x1024xf32, #tpu.memory_space<vmem>>)
      %sub3A_749 = arith.constant 4 : i32
      %sub3A_750 = arith.subi %add3A_601, %sub3A_749 : i32
      %add3A_751 = arith.constant 3 : i32
      %add3A_752 = arith.addi %sub3A_750, %add3A_751 : i32
      %mul3A_753 = arith.constant 8 : i32
      %mul3A_754 = arith.muli %add3A_752, %mul3A_753 : i32
      %add3A_755 = arith.addi %mul3A_2, %mul3A_754 : i32
      %dma_wait3A_756 = arith.constant 3 : i32
      %dma_wait3A_757 = arith.constant 0 : i32
      %dma_wait3A_758 = tpu.memref_slice %arg4[%add3A_755, %dma_wait3A_757] : memref<51200x1024xf32, #tpu.memory_space<hbm>> -> memref<8x1024xf32, #tpu.memory_space<hbm>>
      %dma_wait3A_759 = arith.constant 0 : i32
      %dma_wait3A_760 = arith.constant 0 : i32
      %dma_wait3A_761 = tpu.memref_slice %arg7[%arg1, %dma_wait3A_756, %dma_wait3A_759, %dma_wait3A_760] : memref<16x4x8x1024xf32, #tpu.memory_space<vmem_shared>> -> memref<1x1x8x1024xf32, #tpu.memory_space<vmem_shared>>
      %dma_wait3A_762 = tpu.memref_squeeze %dma_wait3A_761 : memref<1x1x8x1024xf32, #tpu.memory_space<vmem_shared>> -> memref<8x1024xf32, #tpu.memory_space<vmem_shared>>
      tpu.wait_dma2 semaphore(%arg19 : memref<!tpu.dma_semaphore, #tpu.memory_space<semaphore_mem>>) src(%dma_wait3A_762 : memref<8x1024xf32, #tpu.memory_space<vmem_shared>>) dst(%dma_wait3A_758 : memref<8x1024xf32, #tpu.memory_space<hbm>>)
      %dma_start3A_763 = arith.constant 3 : i32
      %dma_start3A_764 = arith.constant 3 : i32
      %dma_start3A_765 = arith.constant 0 : i32
      %dma_start3A_766 = arith.constant 0 : i32
      %dma_start3A_767 = tpu.memref_slice %arg6[%dma_start3A_763, %dma_start3A_765, %dma_start3A_766] : memref<4x8x1024xf32, #tpu.memory_space<vmem>> -> memref<1x8x1024xf32, #tpu.memory_space<vmem>>
      %dma_start3A_768 = tpu.memref_squeeze %dma_start3A_767 : memref<1x8x1024xf32, #tpu.memory_space<vmem>> -> memref<8x1024xf32, #tpu.memory_space<vmem>>
      %dma_start3A_769 = arith.constant 0 : i32
      %dma_start3A_770 = arith.constant 0 : i32
      %dma_start3A_771 = tpu.memref_slice %arg7[%arg1, %dma_start3A_764, %dma_start3A_769, %dma_start3A_770] : memref<16x4x8x1024xf32, #tpu.memory_space<vmem_shared>> -> memref<1x1x8x1024xf32, #tpu.memory_space<vmem_shared>>
      %dma_start3A_772 = tpu.memref_squeeze %dma_start3A_771 : memref<1x1x8x1024xf32, #tpu.memory_space<vmem_shared>> -> memref<8x1024xf32, #tpu.memory_space<vmem_shared>>
      %dma_start3A_773 = arith.constant 0 : i32
      %dma_start3A_774 = arith.constant 0 : i32
      %dma_start3A_775 = tpu.memref_slice %arg7[%arg1, %dma_start3A_764, %dma_start3A_773, %dma_start3A_774] : memref<16x4x8x1024xf32, #tpu.memory_space<vmem_shared>> -> memref<1x1x8x1024xf32, #tpu.memory_space<vmem_shared>>
      %dma_start3A_776 = tpu.memref_squeeze %dma_start3A_775 : memref<1x1x8x1024xf32, #tpu.memory_space<vmem_shared>> -> memref<8x1024xf32, #tpu.memory_space<vmem_shared>>
      %dma_start3A_777 = arith.constant 0 : i32
      %dma_start3A_778 = arith.constant 0 : i32
      %dma_start3A_779 = tpu.memref_slice %arg6[%dma_start3A_763, %dma_start3A_777, %dma_start3A_778] : memref<4x8x1024xf32, #tpu.memory_space<vmem>> -> memref<1x8x1024xf32, #tpu.memory_space<vmem>>
      %dma_start3A_780 = tpu.memref_squeeze %dma_start3A_779 : memref<1x8x1024xf32, #tpu.memory_space<vmem>> -> memref<8x1024xf32, #tpu.memory_space<vmem>>
      tpu.enqueue_dma source(%dma_start3A_780 : memref<8x1024xf32, #tpu.memory_space<vmem>>) target(%dma_start3A_776 : memref<8x1024xf32, #tpu.memory_space<vmem_shared>>) target_semaphore(%arg15 : memref<!tpu.dma_semaphore, #tpu.memory_space<semaphore_mem>>)
      %dma_wait3A_781 = arith.constant 0 : i32
      %dma_wait3A_782 = arith.constant 0 : i32
      %dma_wait3A_783 = arith.constant 0 : i32
      %dma_wait3A_784 = arith.constant 0 : i32
      %dma_wait3A_785 = tpu.memref_slice %arg6[%dma_wait3A_781, %dma_wait3A_783, %dma_wait3A_784] : memref<4x8x1024xf32, #tpu.memory_space<vmem>> -> memref<1x8x1024xf32, #tpu.memory_space<vmem>>
      %dma_wait3A_786 = tpu.memref_squeeze %dma_wait3A_785 : memref<1x8x1024xf32, #tpu.memory_space<vmem>> -> memref<8x1024xf32, #tpu.memory_space<vmem>>
      %dma_wait3A_787 = arith.constant 0 : i32
      %dma_wait3A_788 = arith.constant 0 : i32
      %dma_wait3A_789 = tpu.memref_slice %arg7[%arg1, %dma_wait3A_782, %dma_wait3A_787, %dma_wait3A_788] : memref<16x4x8x1024xf32, #tpu.memory_space<vmem_shared>> -> memref<1x1x8x1024xf32, #tpu.memory_space<vmem_shared>>
      %dma_wait3A_790 = tpu.memref_squeeze %dma_wait3A_789 : memref<1x1x8x1024xf32, #tpu.memory_space<vmem_shared>> -> memref<8x1024xf32, #tpu.memory_space<vmem_shared>>
      %dma_wait3A_791 = arith.constant 0 : i32
      %dma_wait3A_792 = arith.constant 0 : i32
      %dma_wait3A_793 = tpu.memref_slice %arg7[%arg1, %dma_wait3A_782, %dma_wait3A_791, %dma_wait3A_792] : memref<16x4x8x1024xf32, #tpu.memory_space<vmem_shared>> -> memref<1x1x8x1024xf32, #tpu.memory_space<vmem_shared>>
      %dma_wait3A_794 = tpu.memref_squeeze %dma_wait3A_793 : memref<1x1x8x1024xf32, #tpu.memory_space<vmem_shared>> -> memref<8x1024xf32, #tpu.memory_space<vmem_shared>>
      %dma_wait3A_795 = arith.constant 0 : i32
      %dma_wait3A_796 = arith.constant 0 : i32
      %dma_wait3A_797 = tpu.memref_slice %arg6[%dma_wait3A_781, %dma_wait3A_795, %dma_wait3A_796] : memref<4x8x1024xf32, #tpu.memory_space<vmem>> -> memref<1x8x1024xf32, #tpu.memory_space<vmem>>
      %dma_wait3A_798 = tpu.memref_squeeze %dma_wait3A_797 : memref<1x8x1024xf32, #tpu.memory_space<vmem>> -> memref<8x1024xf32, #tpu.memory_space<vmem>>
      tpu.wait_dma2 semaphore(%arg12 : memref<!tpu.dma_semaphore, #tpu.memory_space<semaphore_mem>>) src(%dma_wait3A_798 : memref<8x1024xf32, #tpu.memory_space<vmem>>) dst(%dma_wait3A_794 : memref<8x1024xf32, #tpu.memory_space<vmem_shared>>)
      %add3A_799 = arith.constant 0 : i32
      %add3A_800 = arith.addi %add3A_601, %add3A_799 : i32
      %mul3A_801 = arith.constant 8 : i32
      %mul3A_802 = arith.muli %add3A_800, %mul3A_801 : i32
      %add3A_803 = arith.addi %mul3A_2, %mul3A_802 : i32
      %dma_start3A_804 = arith.constant 0 : i32
      %dma_start3A_805 = arith.constant 0 : i32
      %dma_start3A_806 = tpu.memref_slice %arg4[%add3A_803, %dma_start3A_805] : memref<51200x1024xf32, #tpu.memory_space<hbm>> -> memref<8x1024xf32, #tpu.memory_space<hbm>>
      %dma_start3A_807 = arith.constant 0 : i32
      %dma_start3A_808 = arith.constant 0 : i32
      %dma_start3A_809 = tpu.memref_slice %arg7[%arg1, %dma_start3A_804, %dma_start3A_807, %dma_start3A_808] : memref<16x4x8x1024xf32, #tpu.memory_space<vmem_shared>> -> memref<1x1x8x1024xf32, #tpu.memory_space<vmem_shared>>
      %dma_start3A_810 = tpu.memref_squeeze %dma_start3A_809 : memref<1x1x8x1024xf32, #tpu.memory_space<vmem_shared>> -> memref<8x1024xf32, #tpu.memory_space<vmem_shared>>
      tpu.enqueue_dma source(%dma_start3A_810 : memref<8x1024xf32, #tpu.memory_space<vmem_shared>>) target(%dma_start3A_806 : memref<8x1024xf32, #tpu.memory_space<hbm>>) target_semaphore(%arg16 : memref<!tpu.dma_semaphore, #tpu.memory_space<semaphore_mem>>)
      %add3A_811 = arith.constant 0 : i32
      %add3A_812 = arith.addi %add3A_601, %add3A_811 : i32
      %add3A_813 = arith.constant 4 : i32
      %add3A_814 = arith.addi %add3A_812, %add3A_813 : i32
      %mul3A_815 = arith.constant 8 : i32
      %mul3A_816 = arith.muli %add3A_814, %mul3A_815 : i32
      %dma_start3A_817 = arith.constant 0 : i32
      %dma_start3A_818 = arith.constant 0 : i32
      %dma_start3A_819 = arith.constant 0 : i32
      %dma_start3A_820 = tpu.memref_slice %arg6[%dma_start3A_817, %dma_start3A_818, %dma_start3A_819] : memref<4x8x1024xf32, #tpu.memory_space<vmem>> -> memref<1x8x1024xf32, #tpu.memory_space<vmem>>
      %dma_start3A_821 = tpu.memref_squeeze %dma_start3A_820 : memref<1x8x1024xf32, #tpu.memory_space<vmem>> -> memref<8x1024xf32, #tpu.memory_space<vmem>>
      %dma_start3A_822 = tpu.memref_slice %arg5[%mul3A_816] : memref<1600xi32, #tpu.memory_space<vmem>> -> memref<8xi32, #tpu.memory_space<vmem>>
      %dma_start3A_823 = arith.constant 0 : i32
      %dma_start3A_824 = arith.constant 0 : i32
      %dma_start3A_825 = tpu.memref_slice %arg3[%dma_start3A_823, %dma_start3A_824] : memref<100000x1024xf32, #tpu.memory_space<hbm>> -> memref<100000x1024xf32, #tpu.memory_space<hbm>>
      tpu.enqueue_indirect_dma source(%dma_start3A_825 : memref<100000x1024xf32, #tpu.memory_space<hbm>>) target(%dma_start3A_821 : memref<8x1024xf32, #tpu.memory_space<vmem>>) offsets(%dma_start3A_822 : memref<8xi32, #tpu.memory_space<vmem>>) semaphore(%arg8 : memref<!tpu.dma_semaphore, #tpu.memory_space<semaphore_mem>>)
      %dma_wait3A_826 = arith.constant 1 : i32
      %dma_wait3A_827 = arith.constant 1 : i32
      %dma_wait3A_828 = arith.constant 0 : i32
      %dma_wait3A_829 = arith.constant 0 : i32
      %dma_wait3A_830 = tpu.memref_slice %arg6[%dma_wait3A_826, %dma_wait3A_828, %dma_wait3A_829] : memref<4x8x1024xf32, #tpu.memory_space<vmem>> -> memref<1x8x1024xf32, #tpu.memory_space<vmem>>
      %dma_wait3A_831 = tpu.memref_squeeze %dma_wait3A_830 : memref<1x8x1024xf32, #tpu.memory_space<vmem>> -> memref<8x1024xf32, #tpu.memory_space<vmem>>
      %dma_wait3A_832 = arith.constant 0 : i32
      %dma_wait3A_833 = arith.constant 0 : i32
      %dma_wait3A_834 = tpu.memref_slice %arg7[%arg1, %dma_wait3A_827, %dma_wait3A_832, %dma_wait3A_833] : memref<16x4x8x1024xf32, #tpu.memory_space<vmem_shared>> -> memref<1x1x8x1024xf32, #tpu.memory_space<vmem_shared>>
      %dma_wait3A_835 = tpu.memref_squeeze %dma_wait3A_834 : memref<1x1x8x1024xf32, #tpu.memory_space<vmem_shared>> -> memref<8x1024xf32, #tpu.memory_space<vmem_shared>>
      %dma_wait3A_836 = arith.constant 0 : i32
      %dma_wait3A_837 = arith.constant 0 : i32
      %dma_wait3A_838 = tpu.memref_slice %arg7[%arg1, %dma_wait3A_827, %dma_wait3A_836, %dma_wait3A_837] : memref<16x4x8x1024xf32, #tpu.memory_space<vmem_shared>> -> memref<1x1x8x1024xf32, #tpu.memory_space<vmem_shared>>
      %dma_wait3A_839 = tpu.memref_squeeze %dma_wait3A_838 : memref<1x1x8x1024xf32, #tpu.memory_space<vmem_shared>> -> memref<8x1024xf32, #tpu.memory_space<vmem_shared>>
      %dma_wait3A_840 = arith.constant 0 : i32
      %dma_wait3A_841 = arith.constant 0 : i32
      %dma_wait3A_842 = tpu.memref_slice %arg6[%dma_wait3A_826, %dma_wait3A_840, %dma_wait3A_841] : memref<4x8x1024xf32, #tpu.memory_space<vmem>> -> memref<1x8x1024xf32, #tpu.memory_space<vmem>>
      %dma_wait3A_843 = tpu.memref_squeeze %dma_wait3A_842 : memref<1x8x1024xf32, #tpu.memory_space<vmem>> -> memref<8x1024xf32, #tpu.memory_space<vmem>>
      tpu.wait_dma2 semaphore(%arg13 : memref<!tpu.dma_semaphore, #tpu.memory_space<semaphore_mem>>) src(%dma_wait3A_843 : memref<8x1024xf32, #tpu.memory_space<vmem>>) dst(%dma_wait3A_839 : memref<8x1024xf32, #tpu.memory_space<vmem_shared>>)
      %add3A_844 = arith.constant 1 : i32
      %add3A_845 = arith.addi %add3A_601, %add3A_844 : i32
      %mul3A_846 = arith.constant 8 : i32
      %mul3A_847 = arith.muli %add3A_845, %mul3A_846 : i32
      %add3A_848 = arith.addi %mul3A_2, %mul3A_847 : i32
      %dma_start3A_849 = arith.constant 1 : i32
      %dma_start3A_850 = arith.constant 0 : i32
      %dma_start3A_851 = tpu.memref_slice %arg4[%add3A_848, %dma_start3A_850] : memref<51200x1024xf32, #tpu.memory_space<hbm>> -> memref<8x1024xf32, #tpu.memory_space<hbm>>
      %dma_start3A_852 = arith.constant 0 : i32
      %dma_start3A_853 = arith.constant 0 : i32
      %dma_start3A_854 = tpu.memref_slice %arg7[%arg1, %dma_start3A_849, %dma_start3A_852, %dma_start3A_853] : memref<16x4x8x1024xf32, #tpu.memory_space<vmem_shared>> -> memref<1x1x8x1024xf32, #tpu.memory_space<vmem_shared>>
      %dma_start3A_855 = tpu.memref_squeeze %dma_start3A_854 : memref<1x1x8x1024xf32, #tpu.memory_space<vmem_shared>> -> memref<8x1024xf32, #tpu.memory_space<vmem_shared>>
      tpu.enqueue_dma source(%dma_start3A_855 : memref<8x1024xf32, #tpu.memory_space<vmem_shared>>) target(%dma_start3A_851 : memref<8x1024xf32, #tpu.memory_space<hbm>>) target_semaphore(%arg17 : memref<!tpu.dma_semaphore, #tpu.memory_space<semaphore_mem>>)
      %add3A_856 = arith.constant 1 : i32
      %add3A_857 = arith.addi %add3A_601, %add3A_856 : i32
      %add3A_858 = arith.constant 4 : i32
      %add3A_859 = arith.addi %add3A_857, %add3A_858 : i32
      %mul3A_860 = arith.constant 8 : i32
      %mul3A_861 = arith.muli %add3A_859, %mul3A_860 : i32
      %dma_start3A_862 = arith.constant 1 : i32
      %dma_start3A_863 = arith.constant 0 : i32
      %dma_start3A_864 = arith.constant 0 : i32
      %dma_start3A_865 = tpu.memref_slice %arg6[%dma_start3A_862, %dma_start3A_863, %dma_start3A_864] : memref<4x8x1024xf32, #tpu.memory_space<vmem>> -> memref<1x8x1024xf32, #tpu.memory_space<vmem>>
      %dma_start3A_866 = tpu.memref_squeeze %dma_start3A_865 : memref<1x8x1024xf32, #tpu.memory_space<vmem>> -> memref<8x1024xf32, #tpu.memory_space<vmem>>
      %dma_start3A_867 = tpu.memref_slice %arg5[%mul3A_861] : memref<1600xi32, #tpu.memory_space<vmem>> -> memref<8xi32, #tpu.memory_space<vmem>>
      %dma_start3A_868 = arith.constant 0 : i32
      %dma_start3A_869 = arith.constant 0 : i32
      %dma_start3A_870 = tpu.memref_slice %arg3[%dma_start3A_868, %dma_start3A_869] : memref<100000x1024xf32, #tpu.memory_space<hbm>> -> memref<100000x1024xf32, #tpu.memory_space<hbm>>
      tpu.enqueue_indirect_dma source(%dma_start3A_870 : memref<100000x1024xf32, #tpu.memory_space<hbm>>) target(%dma_start3A_866 : memref<8x1024xf32, #tpu.memory_space<vmem>>) offsets(%dma_start3A_867 : memref<8xi32, #tpu.memory_space<vmem>>) semaphore(%arg9 : memref<!tpu.dma_semaphore, #tpu.memory_space<semaphore_mem>>)
      %dma_wait3A_871 = arith.constant 2 : i32
      %dma_wait3A_872 = arith.constant 2 : i32
      %dma_wait3A_873 = arith.constant 0 : i32
      %dma_wait3A_874 = arith.constant 0 : i32
      %dma_wait3A_875 = tpu.memref_slice %arg6[%dma_wait3A_871, %dma_wait3A_873, %dma_wait3A_874] : memref<4x8x1024xf32, #tpu.memory_space<vmem>> -> memref<1x8x1024xf32, #tpu.memory_space<vmem>>
      %dma_wait3A_876 = tpu.memref_squeeze %dma_wait3A_875 : memref<1x8x1024xf32, #tpu.memory_space<vmem>> -> memref<8x1024xf32, #tpu.memory_space<vmem>>
      %dma_wait3A_877 = arith.constant 0 : i32
      %dma_wait3A_878 = arith.constant 0 : i32
      %dma_wait3A_879 = tpu.memref_slice %arg7[%arg1, %dma_wait3A_872, %dma_wait3A_877, %dma_wait3A_878] : memref<16x4x8x1024xf32, #tpu.memory_space<vmem_shared>> -> memref<1x1x8x1024xf32, #tpu.memory_space<vmem_shared>>
      %dma_wait3A_880 = tpu.memref_squeeze %dma_wait3A_879 : memref<1x1x8x1024xf32, #tpu.memory_space<vmem_shared>> -> memref<8x1024xf32, #tpu.memory_space<vmem_shared>>
      %dma_wait3A_881 = arith.constant 0 : i32
      %dma_wait3A_882 = arith.constant 0 : i32
      %dma_wait3A_883 = tpu.memref_slice %arg7[%arg1, %dma_wait3A_872, %dma_wait3A_881, %dma_wait3A_882] : memref<16x4x8x1024xf32, #tpu.memory_space<vmem_shared>> -> memref<1x1x8x1024xf32, #tpu.memory_space<vmem_shared>>
      %dma_wait3A_884 = tpu.memref_squeeze %dma_wait3A_883 : memref<1x1x8x1024xf32, #tpu.memory_space<vmem_shared>> -> memref<8x1024xf32, #tpu.memory_space<vmem_shared>>
      %dma_wait3A_885 = arith.constant 0 : i32
      %dma_wait3A_886 = arith.constant 0 : i32
      %dma_wait3A_887 = tpu.memref_slice %arg6[%dma_wait3A_871, %dma_wait3A_885, %dma_wait3A_886] : memref<4x8x1024xf32, #tpu.memory_space<vmem>> -> memref<1x8x1024xf32, #tpu.memory_space<vmem>>
      %dma_wait3A_888 = tpu.memref_squeeze %dma_wait3A_887 : memref<1x8x1024xf32, #tpu.memory_space<vmem>> -> memref<8x1024xf32, #tpu.memory_space<vmem>>
      tpu.wait_dma2 semaphore(%arg14 : memref<!tpu.dma_semaphore, #tpu.memory_space<semaphore_mem>>) src(%dma_wait3A_888 : memref<8x1024xf32, #tpu.memory_space<vmem>>) dst(%dma_wait3A_884 : memref<8x1024xf32, #tpu.memory_space<vmem_shared>>)
      %add3A_889 = arith.constant 2 : i32
      %add3A_890 = arith.addi %add3A_601, %add3A_889 : i32
      %mul3A_891 = arith.constant 8 : i32
      %mul3A_892 = arith.muli %add3A_890, %mul3A_891 : i32
      %add3A_893 = arith.addi %mul3A_2, %mul3A_892 : i32
      %dma_start3A_894 = arith.constant 2 : i32
      %dma_start3A_895 = arith.constant 0 : i32
      %dma_start3A_896 = tpu.memref_slice %arg4[%add3A_893, %dma_start3A_895] : memref<51200x1024xf32, #tpu.memory_space<hbm>> -> memref<8x1024xf32, #tpu.memory_space<hbm>>
      %dma_start3A_897 = arith.constant 0 : i32
      %dma_start3A_898 = arith.constant 0 : i32
      %dma_start3A_899 = tpu.memref_slice %arg7[%arg1, %dma_start3A_894, %dma_start3A_897, %dma_start3A_898] : memref<16x4x8x1024xf32, #tpu.memory_space<vmem_shared>> -> memref<1x1x8x1024xf32, #tpu.memory_space<vmem_shared>>
      %dma_start3A_900 = tpu.memref_squeeze %dma_start3A_899 : memref<1x1x8x1024xf32, #tpu.memory_space<vmem_shared>> -> memref<8x1024xf32, #tpu.memory_space<vmem_shared>>
      tpu.enqueue_dma source(%dma_start3A_900 : memref<8x1024xf32, #tpu.memory_space<vmem_shared>>) target(%dma_start3A_896 : memref<8x1024xf32, #tpu.memory_space<hbm>>) target_semaphore(%arg18 : memref<!tpu.dma_semaphore, #tpu.memory_space<semaphore_mem>>)
      %add3A_901 = arith.constant 2 : i32
      %add3A_902 = arith.addi %add3A_601, %add3A_901 : i32
      %add3A_903 = arith.constant 4 : i32
      %add3A_904 = arith.addi %add3A_902, %add3A_903 : i32
      %mul3A_905 = arith.constant 8 : i32
      %mul3A_906 = arith.muli %add3A_904, %mul3A_905 : i32
      %dma_start3A_907 = arith.constant 2 : i32
      %dma_start3A_908 = arith.constant 0 : i32
      %dma_start3A_909 = arith.constant 0 : i32
      %dma_start3A_910 = tpu.memref_slice %arg6[%dma_start3A_907, %dma_start3A_908, %dma_start3A_909] : memref<4x8x1024xf32, #tpu.memory_space<vmem>> -> memref<1x8x1024xf32, #tpu.memory_space<vmem>>
      %dma_start3A_911 = tpu.memref_squeeze %dma_start3A_910 : memref<1x8x1024xf32, #tpu.memory_space<vmem>> -> memref<8x1024xf32, #tpu.memory_space<vmem>>
      %dma_start3A_912 = tpu.memref_slice %arg5[%mul3A_906] : memref<1600xi32, #tpu.memory_space<vmem>> -> memref<8xi32, #tpu.memory_space<vmem>>
      %dma_start3A_913 = arith.constant 0 : i32
      %dma_start3A_914 = arith.constant 0 : i32
      %dma_start3A_915 = tpu.memref_slice %arg3[%dma_start3A_913, %dma_start3A_914] : memref<100000x1024xf32, #tpu.memory_space<hbm>> -> memref<100000x1024xf32, #tpu.memory_space<hbm>>
      tpu.enqueue_indirect_dma source(%dma_start3A_915 : memref<100000x1024xf32, #tpu.memory_space<hbm>>) target(%dma_start3A_911 : memref<8x1024xf32, #tpu.memory_space<vmem>>) offsets(%dma_start3A_912 : memref<8xi32, #tpu.memory_space<vmem>>) semaphore(%arg10 : memref<!tpu.dma_semaphore, #tpu.memory_space<semaphore_mem>>)
      %dma_wait3A_916 = arith.constant 3 : i32
      %dma_wait3A_917 = arith.constant 3 : i32
      %dma_wait3A_918 = arith.constant 0 : i32
      %dma_wait3A_919 = arith.constant 0 : i32
      %dma_wait3A_920 = tpu.memref_slice %arg6[%dma_wait3A_916, %dma_wait3A_918, %dma_wait3A_919] : memref<4x8x1024xf32, #tpu.memory_space<vmem>> -> memref<1x8x1024xf32, #tpu.memory_space<vmem>>
      %dma_wait3A_921 = tpu.memref_squeeze %dma_wait3A_920 : memref<1x8x1024xf32, #tpu.memory_space<vmem>> -> memref<8x1024xf32, #tpu.memory_space<vmem>>
      %dma_wait3A_922 = arith.constant 0 : i32
      %dma_wait3A_923 = arith.constant 0 : i32
      %dma_wait3A_924 = tpu.memref_slice %arg7[%arg1, %dma_wait3A_917, %dma_wait3A_922, %dma_wait3A_923] : memref<16x4x8x1024xf32, #tpu.memory_space<vmem_shared>> -> memref<1x1x8x1024xf32, #tpu.memory_space<vmem_shared>>
      %dma_wait3A_925 = tpu.memref_squeeze %dma_wait3A_924 : memref<1x1x8x1024xf32, #tpu.memory_space<vmem_shared>> -> memref<8x1024xf32, #tpu.memory_space<vmem_shared>>
      %dma_wait3A_926 = arith.constant 0 : i32
      %dma_wait3A_927 = arith.constant 0 : i32
      %dma_wait3A_928 = tpu.memref_slice %arg7[%arg1, %dma_wait3A_917, %dma_wait3A_926, %dma_wait3A_927] : memref<16x4x8x1024xf32, #tpu.memory_space<vmem_shared>> -> memref<1x1x8x1024xf32, #tpu.memory_space<vmem_shared>>
      %dma_wait3A_929 = tpu.memref_squeeze %dma_wait3A_928 : memref<1x1x8x1024xf32, #tpu.memory_space<vmem_shared>> -> memref<8x1024xf32, #tpu.memory_space<vmem_shared>>
      %dma_wait3A_930 = arith.constant 0 : i32
      %dma_wait3A_931 = arith.constant 0 : i32
      %dma_wait3A_932 = tpu.memref_slice %arg6[%dma_wait3A_916, %dma_wait3A_930, %dma_wait3A_931] : memref<4x8x1024xf32, #tpu.memory_space<vmem>> -> memref<1x8x1024xf32, #tpu.memory_space<vmem>>
      %dma_wait3A_933 = tpu.memref_squeeze %dma_wait3A_932 : memref<1x8x1024xf32, #tpu.memory_space<vmem>> -> memref<8x1024xf32, #tpu.memory_space<vmem>>
      tpu.wait_dma2 semaphore(%arg15 : memref<!tpu.dma_semaphore, #tpu.memory_space<semaphore_mem>>) src(%dma_wait3A_933 : memref<8x1024xf32, #tpu.memory_space<vmem>>) dst(%dma_wait3A_929 : memref<8x1024xf32, #tpu.memory_space<vmem_shared>>)
      %add3A_934 = arith.constant 3 : i32
      %add3A_935 = arith.addi %add3A_601, %add3A_934 : i32
      %mul3A_936 = arith.constant 8 : i32
      %mul3A_937 = arith.muli %add3A_935, %mul3A_936 : i32
      %add3A_938 = arith.addi %mul3A_2, %mul3A_937 : i32
      %dma_start3A_939 = arith.constant 3 : i32
      %dma_start3A_940 = arith.constant 0 : i32
      %dma_start3A_941 = tpu.memref_slice %arg4[%add3A_938, %dma_start3A_940] : memref<51200x1024xf32, #tpu.memory_space<hbm>> -> memref<8x1024xf32, #tpu.memory_space<hbm>>
      %dma_start3A_942 = arith.constant 0 : i32
      %dma_start3A_943 = arith.constant 0 : i32
      %dma_start3A_944 = tpu.memref_slice %arg7[%arg1, %dma_start3A_939, %dma_start3A_942, %dma_start3A_943] : memref<16x4x8x1024xf32, #tpu.memory_space<vmem_shared>> -> memref<1x1x8x1024xf32, #tpu.memory_space<vmem_shared>>
      %dma_start3A_945 = tpu.memref_squeeze %dma_start3A_944 : memref<1x1x8x1024xf32, #tpu.memory_space<vmem_shared>> -> memref<8x1024xf32, #tpu.memory_space<vmem_shared>>
      tpu.enqueue_dma source(%dma_start3A_945 : memref<8x1024xf32, #tpu.memory_space<vmem_shared>>) target(%dma_start3A_941 : memref<8x1024xf32, #tpu.memory_space<hbm>>) target_semaphore(%arg19 : memref<!tpu.dma_semaphore, #tpu.memory_space<semaphore_mem>>)
      %add3A_946 = arith.constant 3 : i32
      %add3A_947 = arith.addi %add3A_601, %add3A_946 : i32
      %add3A_948 = arith.constant 4 : i32
      %add3A_949 = arith.addi %add3A_947, %add3A_948 : i32
      %mul3A_950 = arith.constant 8 : i32
      %mul3A_951 = arith.muli %add3A_949, %mul3A_950 : i32
      %dma_start3A_952 = arith.constant 3 : i32
      %dma_start3A_953 = arith.constant 0 : i32
      %dma_start3A_954 = arith.constant 0 : i32
      %dma_start3A_955 = tpu.memref_slice %arg6[%dma_start3A_952, %dma_start3A_953, %dma_start3A_954] : memref<4x8x1024xf32, #tpu.memory_space<vmem>> -> memref<1x8x1024xf32, #tpu.memory_space<vmem>>
      %dma_start3A_956 = tpu.memref_squeeze %dma_start3A_955 : memref<1x8x1024xf32, #tpu.memory_space<vmem>> -> memref<8x1024xf32, #tpu.memory_space<vmem>>
      %dma_start3A_957 = tpu.memref_slice %arg5[%mul3A_951] : memref<1600xi32, #tpu.memory_space<vmem>> -> memref<8xi32, #tpu.memory_space<vmem>>
      %dma_start3A_958 = arith.constant 0 : i32
      %dma_start3A_959 = arith.constant 0 : i32
      %dma_start3A_960 = tpu.memref_slice %arg3[%dma_start3A_958, %dma_start3A_959] : memref<100000x1024xf32, #tpu.memory_space<hbm>> -> memref<100000x1024xf32, #tpu.memory_space<hbm>>
      tpu.enqueue_indirect_dma source(%dma_start3A_960 : memref<100000x1024xf32, #tpu.memory_space<hbm>>) target(%dma_start3A_956 : memref<8x1024xf32, #tpu.memory_space<vmem>>) offsets(%dma_start3A_957 : memref<8xi32, #tpu.memory_space<vmem>>) semaphore(%arg11 : memref<!tpu.dma_semaphore, #tpu.memory_space<semaphore_mem>>)
    }
    %scan3A_304 = arith.constant 48 : i32
    %dma_wait3A_305 = arith.constant 0 : i32
    %dma_wait3A_306 = arith.constant 0 : i32
    %dma_wait3A_307 = arith.constant 0 : i32
    %dma_wait3A_308 = tpu.memref_slice %arg6[%dma_wait3A_305, %dma_wait3A_306, %dma_wait3A_307] : memref<4x8x1024xf32, #tpu.memory_space<vmem>> -> memref<1x8x1024xf32, #tpu.memory_space<vmem>>
    %dma_wait3A_309 = tpu.memref_squeeze %dma_wait3A_308 : memref<1x8x1024xf32, #tpu.memory_space<vmem>> -> memref<8x1024xf32, #tpu.memory_space<vmem>>
    %dma_wait3A_310 = arith.constant 1568 : i32
    %dma_wait3A_311 = tpu.memref_slice %arg5[%dma_wait3A_310] : memref<1600xi32, #tpu.memory_space<vmem>> -> memref<8xi32, #tpu.memory_space<vmem>>
    %dma_wait3A_312 = arith.constant 0 : i32
    %dma_wait3A_313 = arith.constant 0 : i32
    %dma_wait3A_314 = tpu.memref_slice %arg3[%dma_wait3A_312, %dma_wait3A_313] : memref<100000x1024xf32, #tpu.memory_space<hbm>> -> memref<100000x1024xf32, #tpu.memory_space<hbm>>
    tpu.wait_indirect_dma semaphore(%arg8 : memref<!tpu.dma_semaphore, #tpu.memory_space<semaphore_mem>>) src(%dma_wait3A_314 : memref<100000x1024xf32, #tpu.memory_space<hbm>>) dst(%dma_wait3A_309 : memref<8x1024xf32, #tpu.memory_space<vmem>>)
    %add3A_315 = arith.constant 1536 : i32
    %add3A_316 = arith.addi %mul3A_2, %add3A_315 : i32
    %dma_wait3A_317 = arith.constant 0 : i32
    %dma_wait3A_318 = arith.constant 0 : i32
    %dma_wait3A_319 = tpu.memref_slice %arg4[%add3A_316, %dma_wait3A_318] : memref<51200x1024xf32, #tpu.memory_space<hbm>> -> memref<8x1024xf32, #tpu.memory_space<hbm>>
    %dma_wait3A_320 = arith.constant 0 : i32
    %dma_wait3A_321 = arith.constant 0 : i32
    %dma_wait3A_322 = tpu.memref_slice %arg7[%arg1, %dma_wait3A_317, %dma_wait3A_320, %dma_wait3A_321] : memref<16x4x8x1024xf32, #tpu.memory_space<vmem_shared>> -> memref<1x1x8x1024xf32, #tpu.memory_space<vmem_shared>>
    %dma_wait3A_323 = tpu.memref_squeeze %dma_wait3A_322 : memref<1x1x8x1024xf32, #tpu.memory_space<vmem_shared>> -> memref<8x1024xf32, #tpu.memory_space<vmem_shared>>
    tpu.wait_dma2 semaphore(%arg16 : memref<!tpu.dma_semaphore, #tpu.memory_space<semaphore_mem>>) src(%dma_wait3A_323 : memref<8x1024xf32, #tpu.memory_space<vmem_shared>>) dst(%dma_wait3A_319 : memref<8x1024xf32, #tpu.memory_space<hbm>>)
    %dma_start3A_324 = arith.constant 0 : i32
    %dma_start3A_325 = arith.constant 0 : i32
    %dma_start3A_326 = arith.constant 0 : i32
    %dma_start3A_327 = arith.constant 0 : i32
    %dma_start3A_328 = tpu.memref_slice %arg6[%dma_start3A_324, %dma_start3A_326, %dma_start3A_327] : memref<4x8x1024xf32, #tpu.memory_space<vmem>> -> memref<1x8x1024xf32, #tpu.memory_space<vmem>>
    %dma_start3A_329 = tpu.memref_squeeze %dma_start3A_328 : memref<1x8x1024xf32, #tpu.memory_space<vmem>> -> memref<8x1024xf32, #tpu.memory_space<vmem>>
    %dma_start3A_330 = arith.constant 0 : i32
    %dma_start3A_331 = arith.constant 0 : i32
    %dma_start3A_332 = tpu.memref_slice %arg7[%arg1, %dma_start3A_325, %dma_start3A_330, %dma_start3A_331] : memref<16x4x8x1024xf32, #tpu.memory_space<vmem_shared>> -> memref<1x1x8x1024xf32, #tpu.memory_space<vmem_shared>>
    %dma_start3A_333 = tpu.memref_squeeze %dma_start3A_332 : memref<1x1x8x1024xf32, #tpu.memory_space<vmem_shared>> -> memref<8x1024xf32, #tpu.memory_space<vmem_shared>>
    %dma_start3A_334 = arith.constant 0 : i32
    %dma_start3A_335 = arith.constant 0 : i32
    %dma_start3A_336 = tpu.memref_slice %arg7[%arg1, %dma_start3A_325, %dma_start3A_334, %dma_start3A_335] : memref<16x4x8x1024xf32, #tpu.memory_space<vmem_shared>> -> memref<1x1x8x1024xf32, #tpu.memory_space<vmem_shared>>
    %dma_start3A_337 = tpu.memref_squeeze %dma_start3A_336 : memref<1x1x8x1024xf32, #tpu.memory_space<vmem_shared>> -> memref<8x1024xf32, #tpu.memory_space<vmem_shared>>
    %dma_start3A_338 = arith.constant 0 : i32
    %dma_start3A_339 = arith.constant 0 : i32
    %dma_start3A_340 = tpu.memref_slice %arg6[%dma_start3A_324, %dma_start3A_338, %dma_start3A_339] : memref<4x8x1024xf32, #tpu.memory_space<vmem>> -> memref<1x8x1024xf32, #tpu.memory_space<vmem>>
    %dma_start3A_341 = tpu.memref_squeeze %dma_start3A_340 : memref<1x8x1024xf32, #tpu.memory_space<vmem>> -> memref<8x1024xf32, #tpu.memory_space<vmem>>
    tpu.enqueue_dma source(%dma_start3A_341 : memref<8x1024xf32, #tpu.memory_space<vmem>>) target(%dma_start3A_337 : memref<8x1024xf32, #tpu.memory_space<vmem_shared>>) target_semaphore(%arg12 : memref<!tpu.dma_semaphore, #tpu.memory_space<semaphore_mem>>)
    %dma_wait3A_342 = arith.constant 1 : i32
    %dma_wait3A_343 = arith.constant 0 : i32
    %dma_wait3A_344 = arith.constant 0 : i32
    %dma_wait3A_345 = tpu.memref_slice %arg6[%dma_wait3A_342, %dma_wait3A_343, %dma_wait3A_344] : memref<4x8x1024xf32, #tpu.memory_space<vmem>> -> memref<1x8x1024xf32, #tpu.memory_space<vmem>>
    %dma_wait3A_346 = tpu.memref_squeeze %dma_wait3A_345 : memref<1x8x1024xf32, #tpu.memory_space<vmem>> -> memref<8x1024xf32, #tpu.memory_space<vmem>>
    %dma_wait3A_347 = arith.constant 1576 : i32
    %dma_wait3A_348 = tpu.memref_slice %arg5[%dma_wait3A_347] : memref<1600xi32, #tpu.memory_space<vmem>> -> memref<8xi32, #tpu.memory_space<vmem>>
    %dma_wait3A_349 = arith.constant 0 : i32
    %dma_wait3A_350 = arith.constant 0 : i32
    %dma_wait3A_351 = tpu.memref_slice %arg3[%dma_wait3A_349, %dma_wait3A_350] : memref<100000x1024xf32, #tpu.memory_space<hbm>> -> memref<100000x1024xf32, #tpu.memory_space<hbm>>
    tpu.wait_indirect_dma semaphore(%arg9 : memref<!tpu.dma_semaphore, #tpu.memory_space<semaphore_mem>>) src(%dma_wait3A_351 : memref<100000x1024xf32, #tpu.memory_space<hbm>>) dst(%dma_wait3A_346 : memref<8x1024xf32, #tpu.memory_space<vmem>>)
    %add3A_352 = arith.constant 1544 : i32
    %add3A_353 = arith.addi %mul3A_2, %add3A_352 : i32
    %dma_wait3A_354 = arith.constant 1 : i32
    %dma_wait3A_355 = arith.constant 0 : i32
    %dma_wait3A_356 = tpu.memref_slice %arg4[%add3A_353, %dma_wait3A_355] : memref<51200x1024xf32, #tpu.memory_space<hbm>> -> memref<8x1024xf32, #tpu.memory_space<hbm>>
    %dma_wait3A_357 = arith.constant 0 : i32
    %dma_wait3A_358 = arith.constant 0 : i32
    %dma_wait3A_359 = tpu.memref_slice %arg7[%arg1, %dma_wait3A_354, %dma_wait3A_357, %dma_wait3A_358] : memref<16x4x8x1024xf32, #tpu.memory_space<vmem_shared>> -> memref<1x1x8x1024xf32, #tpu.memory_space<vmem_shared>>
    %dma_wait3A_360 = tpu.memref_squeeze %dma_wait3A_359 : memref<1x1x8x1024xf32, #tpu.memory_space<vmem_shared>> -> memref<8x1024xf32, #tpu.memory_space<vmem_shared>>
    tpu.wait_dma2 semaphore(%arg17 : memref<!tpu.dma_semaphore, #tpu.memory_space<semaphore_mem>>) src(%dma_wait3A_360 : memref<8x1024xf32, #tpu.memory_space<vmem_shared>>) dst(%dma_wait3A_356 : memref<8x1024xf32, #tpu.memory_space<hbm>>)
    %dma_start3A_361 = arith.constant 1 : i32
    %dma_start3A_362 = arith.constant 1 : i32
    %dma_start3A_363 = arith.constant 0 : i32
    %dma_start3A_364 = arith.constant 0 : i32
    %dma_start3A_365 = tpu.memref_slice %arg6[%dma_start3A_361, %dma_start3A_363, %dma_start3A_364] : memref<4x8x1024xf32, #tpu.memory_space<vmem>> -> memref<1x8x1024xf32, #tpu.memory_space<vmem>>
    %dma_start3A_366 = tpu.memref_squeeze %dma_start3A_365 : memref<1x8x1024xf32, #tpu.memory_space<vmem>> -> memref<8x1024xf32, #tpu.memory_space<vmem>>
    %dma_start3A_367 = arith.constant 0 : i32
    %dma_start3A_368 = arith.constant 0 : i32
    %dma_start3A_369 = tpu.memref_slice %arg7[%arg1, %dma_start3A_362, %dma_start3A_367, %dma_start3A_368] : memref<16x4x8x1024xf32, #tpu.memory_space<vmem_shared>> -> memref<1x1x8x1024xf32, #tpu.memory_space<vmem_shared>>
    %dma_start3A_370 = tpu.memref_squeeze %dma_start3A_369 : memref<1x1x8x1024xf32, #tpu.memory_space<vmem_shared>> -> memref<8x1024xf32, #tpu.memory_space<vmem_shared>>
    %dma_start3A_371 = arith.constant 0 : i32
    %dma_start3A_372 = arith.constant 0 : i32
    %dma_start3A_373 = tpu.memref_slice %arg7[%arg1, %dma_start3A_362, %dma_start3A_371, %dma_start3A_372] : memref<16x4x8x1024xf32, #tpu.memory_space<vmem_shared>> -> memref<1x1x8x1024xf32, #tpu.memory_space<vmem_shared>>
    %dma_start3A_374 = tpu.memref_squeeze %dma_start3A_373 : memref<1x1x8x1024xf32, #tpu.memory_space<vmem_shared>> -> memref<8x1024xf32, #tpu.memory_space<vmem_shared>>
    %dma_start3A_375 = arith.constant 0 : i32
    %dma_start3A_376 = arith.constant 0 : i32
    %dma_start3A_377 = tpu.memref_slice %arg6[%dma_start3A_361, %dma_start3A_375, %dma_start3A_376] : memref<4x8x1024xf32, #tpu.memory_space<vmem>> -> memref<1x8x1024xf32, #tpu.memory_space<vmem>>
    %dma_start3A_378 = tpu.memref_squeeze %dma_start3A_377 : memref<1x8x1024xf32, #tpu.memory_space<vmem>> -> memref<8x1024xf32, #tpu.memory_space<vmem>>
    tpu.enqueue_dma source(%dma_start3A_378 : memref<8x1024xf32, #tpu.memory_space<vmem>>) target(%dma_start3A_374 : memref<8x1024xf32, #tpu.memory_space<vmem_shared>>) target_semaphore(%arg13 : memref<!tpu.dma_semaphore, #tpu.memory_space<semaphore_mem>>)
    %dma_wait3A_379 = arith.constant 2 : i32
    %dma_wait3A_380 = arith.constant 0 : i32
    %dma_wait3A_381 = arith.constant 0 : i32
    %dma_wait3A_382 = tpu.memref_slice %arg6[%dma_wait3A_379, %dma_wait3A_380, %dma_wait3A_381] : memref<4x8x1024xf32, #tpu.memory_space<vmem>> -> memref<1x8x1024xf32, #tpu.memory_space<vmem>>
    %dma_wait3A_383 = tpu.memref_squeeze %dma_wait3A_382 : memref<1x8x1024xf32, #tpu.memory_space<vmem>> -> memref<8x1024xf32, #tpu.memory_space<vmem>>
    %dma_wait3A_384 = arith.constant 1584 : i32
    %dma_wait3A_385 = tpu.memref_slice %arg5[%dma_wait3A_384] : memref<1600xi32, #tpu.memory_space<vmem>> -> memref<8xi32, #tpu.memory_space<vmem>>
    %dma_wait3A_386 = arith.constant 0 : i32
    %dma_wait3A_387 = arith.constant 0 : i32
    %dma_wait3A_388 = tpu.memref_slice %arg3[%dma_wait3A_386, %dma_wait3A_387] : memref<100000x1024xf32, #tpu.memory_space<hbm>> -> memref<100000x1024xf32, #tpu.memory_space<hbm>>
    tpu.wait_indirect_dma semaphore(%arg10 : memref<!tpu.dma_semaphore, #tpu.memory_space<semaphore_mem>>) src(%dma_wait3A_388 : memref<100000x1024xf32, #tpu.memory_space<hbm>>) dst(%dma_wait3A_383 : memref<8x1024xf32, #tpu.memory_space<vmem>>)
    %add3A_389 = arith.constant 1552 : i32
    %add3A_390 = arith.addi %mul3A_2, %add3A_389 : i32
    %dma_wait3A_391 = arith.constant 2 : i32
    %dma_wait3A_392 = arith.constant 0 : i32
    %dma_wait3A_393 = tpu.memref_slice %arg4[%add3A_390, %dma_wait3A_392] : memref<51200x1024xf32, #tpu.memory_space<hbm>> -> memref<8x1024xf32, #tpu.memory_space<hbm>>
    %dma_wait3A_394 = arith.constant 0 : i32
    %dma_wait3A_395 = arith.constant 0 : i32
    %dma_wait3A_396 = tpu.memref_slice %arg7[%arg1, %dma_wait3A_391, %dma_wait3A_394, %dma_wait3A_395] : memref<16x4x8x1024xf32, #tpu.memory_space<vmem_shared>> -> memref<1x1x8x1024xf32, #tpu.memory_space<vmem_shared>>
    %dma_wait3A_397 = tpu.memref_squeeze %dma_wait3A_396 : memref<1x1x8x1024xf32, #tpu.memory_space<vmem_shared>> -> memref<8x1024xf32, #tpu.memory_space<vmem_shared>>
    tpu.wait_dma2 semaphore(%arg18 : memref<!tpu.dma_semaphore, #tpu.memory_space<semaphore_mem>>) src(%dma_wait3A_397 : memref<8x1024xf32, #tpu.memory_space<vmem_shared>>) dst(%dma_wait3A_393 : memref<8x1024xf32, #tpu.memory_space<hbm>>)
    %dma_start3A_398 = arith.constant 2 : i32
    %dma_start3A_399 = arith.constant 2 : i32
    %dma_start3A_400 = arith.constant 0 : i32
    %dma_start3A_401 = arith.constant 0 : i32
    %dma_start3A_402 = tpu.memref_slice %arg6[%dma_start3A_398, %dma_start3A_400, %dma_start3A_401] : memref<4x8x1024xf32, #tpu.memory_space<vmem>> -> memref<1x8x1024xf32, #tpu.memory_space<vmem>>
    %dma_start3A_403 = tpu.memref_squeeze %dma_start3A_402 : memref<1x8x1024xf32, #tpu.memory_space<vmem>> -> memref<8x1024xf32, #tpu.memory_space<vmem>>
    %dma_start3A_404 = arith.constant 0 : i32
    %dma_start3A_405 = arith.constant 0 : i32
    %dma_start3A_406 = tpu.memref_slice %arg7[%arg1, %dma_start3A_399, %dma_start3A_404, %dma_start3A_405] : memref<16x4x8x1024xf32, #tpu.memory_space<vmem_shared>> -> memref<1x1x8x1024xf32, #tpu.memory_space<vmem_shared>>
    %dma_start3A_407 = tpu.memref_squeeze %dma_start3A_406 : memref<1x1x8x1024xf32, #tpu.memory_space<vmem_shared>> -> memref<8x1024xf32, #tpu.memory_space<vmem_shared>>
    %dma_start3A_408 = arith.constant 0 : i32
    %dma_start3A_409 = arith.constant 0 : i32
    %dma_start3A_410 = tpu.memref_slice %arg7[%arg1, %dma_start3A_399, %dma_start3A_408, %dma_start3A_409] : memref<16x4x8x1024xf32, #tpu.memory_space<vmem_shared>> -> memref<1x1x8x1024xf32, #tpu.memory_space<vmem_shared>>
    %dma_start3A_411 = tpu.memref_squeeze %dma_start3A_410 : memref<1x1x8x1024xf32, #tpu.memory_space<vmem_shared>> -> memref<8x1024xf32, #tpu.memory_space<vmem_shared>>
    %dma_start3A_412 = arith.constant 0 : i32
    %dma_start3A_413 = arith.constant 0 : i32
    %dma_start3A_414 = tpu.memref_slice %arg6[%dma_start3A_398, %dma_start3A_412, %dma_start3A_413] : memref<4x8x1024xf32, #tpu.memory_space<vmem>> -> memref<1x8x1024xf32, #tpu.memory_space<vmem>>
    %dma_start3A_415 = tpu.memref_squeeze %dma_start3A_414 : memref<1x8x1024xf32, #tpu.memory_space<vmem>> -> memref<8x1024xf32, #tpu.memory_space<vmem>>
    tpu.enqueue_dma source(%dma_start3A_415 : memref<8x1024xf32, #tpu.memory_space<vmem>>) target(%dma_start3A_411 : memref<8x1024xf32, #tpu.memory_space<vmem_shared>>) target_semaphore(%arg14 : memref<!tpu.dma_semaphore, #tpu.memory_space<semaphore_mem>>)
    %dma_wait3A_416 = arith.constant 3 : i32
    %dma_wait3A_417 = arith.constant 0 : i32
    %dma_wait3A_418 = arith.constant 0 : i32
    %dma_wait3A_419 = tpu.memref_slice %arg6[%dma_wait3A_416, %dma_wait3A_417, %dma_wait3A_418] : memref<4x8x1024xf32, #tpu.memory_space<vmem>> -> memref<1x8x1024xf32, #tpu.memory_space<vmem>>
    %dma_wait3A_420 = tpu.memref_squeeze %dma_wait3A_419 : memref<1x8x1024xf32, #tpu.memory_space<vmem>> -> memref<8x1024xf32, #tpu.memory_space<vmem>>
    %dma_wait3A_421 = arith.constant 1592 : i32
    %dma_wait3A_422 = tpu.memref_slice %arg5[%dma_wait3A_421] : memref<1600xi32, #tpu.memory_space<vmem>> -> memref<8xi32, #tpu.memory_space<vmem>>
    %dma_wait3A_423 = arith.constant 0 : i32
    %dma_wait3A_424 = arith.constant 0 : i32
    %dma_wait3A_425 = tpu.memref_slice %arg3[%dma_wait3A_423, %dma_wait3A_424] : memref<100000x1024xf32, #tpu.memory_space<hbm>> -> memref<100000x1024xf32, #tpu.memory_space<hbm>>
    tpu.wait_indirect_dma semaphore(%arg11 : memref<!tpu.dma_semaphore, #tpu.memory_space<semaphore_mem>>) src(%dma_wait3A_425 : memref<100000x1024xf32, #tpu.memory_space<hbm>>) dst(%dma_wait3A_420 : memref<8x1024xf32, #tpu.memory_space<vmem>>)
    %add3A_426 = arith.constant 1560 : i32
    %add3A_427 = arith.addi %mul3A_2, %add3A_426 : i32
    %dma_wait3A_428 = arith.constant 3 : i32
    %dma_wait3A_429 = arith.constant 0 : i32
    %dma_wait3A_430 = tpu.memref_slice %arg4[%add3A_427, %dma_wait3A_429] : memref<51200x1024xf32, #tpu.memory_space<hbm>> -> memref<8x1024xf32, #tpu.memory_space<hbm>>
    %dma_wait3A_431 = arith.constant 0 : i32
    %dma_wait3A_432 = arith.constant 0 : i32
    %dma_wait3A_433 = tpu.memref_slice %arg7[%arg1, %dma_wait3A_428, %dma_wait3A_431, %dma_wait3A_432] : memref<16x4x8x1024xf32, #tpu.memory_space<vmem_shared>> -> memref<1x1x8x1024xf32, #tpu.memory_space<vmem_shared>>
    %dma_wait3A_434 = tpu.memref_squeeze %dma_wait3A_433 : memref<1x1x8x1024xf32, #tpu.memory_space<vmem_shared>> -> memref<8x1024xf32, #tpu.memory_space<vmem_shared>>
    tpu.wait_dma2 semaphore(%arg19 : memref<!tpu.dma_semaphore, #tpu.memory_space<semaphore_mem>>) src(%dma_wait3A_434 : memref<8x1024xf32, #tpu.memory_space<vmem_shared>>) dst(%dma_wait3A_430 : memref<8x1024xf32, #tpu.memory_space<hbm>>)
    %dma_start3A_435 = arith.constant 3 : i32
    %dma_start3A_436 = arith.constant 3 : i32
    %dma_start3A_437 = arith.constant 0 : i32
    %dma_start3A_438 = arith.constant 0 : i32
    %dma_start3A_439 = tpu.memref_slice %arg6[%dma_start3A_435, %dma_start3A_437, %dma_start3A_438] : memref<4x8x1024xf32, #tpu.memory_space<vmem>> -> memref<1x8x1024xf32, #tpu.memory_space<vmem>>
    %dma_start3A_440 = tpu.memref_squeeze %dma_start3A_439 : memref<1x8x1024xf32, #tpu.memory_space<vmem>> -> memref<8x1024xf32, #tpu.memory_space<vmem>>
    %dma_start3A_441 = arith.constant 0 : i32
    %dma_start3A_442 = arith.constant 0 : i32
    %dma_start3A_443 = tpu.memref_slice %arg7[%arg1, %dma_start3A_436, %dma_start3A_441, %dma_start3A_442] : memref<16x4x8x1024xf32, #tpu.memory_space<vmem_shared>> -> memref<1x1x8x1024xf32, #tpu.memory_space<vmem_shared>>
    %dma_start3A_444 = tpu.memref_squeeze %dma_start3A_443 : memref<1x1x8x1024xf32, #tpu.memory_space<vmem_shared>> -> memref<8x1024xf32, #tpu.memory_space<vmem_shared>>
    %dma_start3A_445 = arith.constant 0 : i32
    %dma_start3A_446 = arith.constant 0 : i32
    %dma_start3A_447 = tpu.memref_slice %arg7[%arg1, %dma_start3A_436, %dma_start3A_445, %dma_start3A_446] : memref<16x4x8x1024xf32, #tpu.memory_space<vmem_shared>> -> memref<1x1x8x1024xf32, #tpu.memory_space<vmem_shared>>
    %dma_start3A_448 = tpu.memref_squeeze %dma_start3A_447 : memref<1x1x8x1024xf32, #tpu.memory_space<vmem_shared>> -> memref<8x1024xf32, #tpu.memory_space<vmem_shared>>
    %dma_start3A_449 = arith.constant 0 : i32
    %dma_start3A_450 = arith.constant 0 : i32
    %dma_start3A_451 = tpu.memref_slice %arg6[%dma_start3A_435, %dma_start3A_449, %dma_start3A_450] : memref<4x8x1024xf32, #tpu.memory_space<vmem>> -> memref<1x8x1024xf32, #tpu.memory_space<vmem>>
    %dma_start3A_452 = tpu.memref_squeeze %dma_start3A_451 : memref<1x8x1024xf32, #tpu.memory_space<vmem>> -> memref<8x1024xf32, #tpu.memory_space<vmem>>
    tpu.enqueue_dma source(%dma_start3A_452 : memref<8x1024xf32, #tpu.memory_space<vmem>>) target(%dma_start3A_448 : memref<8x1024xf32, #tpu.memory_space<vmem_shared>>) target_semaphore(%arg15 : memref<!tpu.dma_semaphore, #tpu.memory_space<semaphore_mem>>)
    %dma_wait3A_453 = arith.constant 0 : i32
    %dma_wait3A_454 = arith.constant 0 : i32
    %dma_wait3A_455 = arith.constant 0 : i32
    %dma_wait3A_456 = arith.constant 0 : i32
    %dma_wait3A_457 = tpu.memref_slice %arg6[%dma_wait3A_453, %dma_wait3A_455, %dma_wait3A_456] : memref<4x8x1024xf32, #tpu.memory_space<vmem>> -> memref<1x8x1024xf32, #tpu.memory_space<vmem>>
    %dma_wait3A_458 = tpu.memref_squeeze %dma_wait3A_457 : memref<1x8x1024xf32, #tpu.memory_space<vmem>> -> memref<8x1024xf32, #tpu.memory_space<vmem>>
    %dma_wait3A_459 = arith.constant 0 : i32
    %dma_wait3A_460 = arith.constant 0 : i32
    %dma_wait3A_461 = tpu.memref_slice %arg7[%arg1, %dma_wait3A_454, %dma_wait3A_459, %dma_wait3A_460] : memref<16x4x8x1024xf32, #tpu.memory_space<vmem_shared>> -> memref<1x1x8x1024xf32, #tpu.memory_space<vmem_shared>>
    %dma_wait3A_462 = tpu.memref_squeeze %dma_wait3A_461 : memref<1x1x8x1024xf32, #tpu.memory_space<vmem_shared>> -> memref<8x1024xf32, #tpu.memory_space<vmem_shared>>
    %dma_wait3A_463 = arith.constant 0 : i32
    %dma_wait3A_464 = arith.constant 0 : i32
    %dma_wait3A_465 = tpu.memref_slice %arg7[%arg1, %dma_wait3A_454, %dma_wait3A_463, %dma_wait3A_464] : memref<16x4x8x1024xf32, #tpu.memory_space<vmem_shared>> -> memref<1x1x8x1024xf32, #tpu.memory_space<vmem_shared>>
    %dma_wait3A_466 = tpu.memref_squeeze %dma_wait3A_465 : memref<1x1x8x1024xf32, #tpu.memory_space<vmem_shared>> -> memref<8x1024xf32, #tpu.memory_space<vmem_shared>>
    %dma_wait3A_467 = arith.constant 0 : i32
    %dma_wait3A_468 = arith.constant 0 : i32
    %dma_wait3A_469 = tpu.memref_slice %arg6[%dma_wait3A_453, %dma_wait3A_467, %dma_wait3A_468] : memref<4x8x1024xf32, #tpu.memory_space<vmem>> -> memref<1x8x1024xf32, #tpu.memory_space<vmem>>
    %dma_wait3A_470 = tpu.memref_squeeze %dma_wait3A_469 : memref<1x8x1024xf32, #tpu.memory_space<vmem>> -> memref<8x1024xf32, #tpu.memory_space<vmem>>
    tpu.wait_dma2 semaphore(%arg12 : memref<!tpu.dma_semaphore, #tpu.memory_space<semaphore_mem>>) src(%dma_wait3A_470 : memref<8x1024xf32, #tpu.memory_space<vmem>>) dst(%dma_wait3A_466 : memref<8x1024xf32, #tpu.memory_space<vmem_shared>>)
    %add3A_471 = arith.constant 1568 : i32
    %add3A_472 = arith.addi %mul3A_2, %add3A_471 : i32
    %dma_start3A_473 = arith.constant 0 : i32
    %dma_start3A_474 = arith.constant 0 : i32
    %dma_start3A_475 = tpu.memref_slice %arg4[%add3A_472, %dma_start3A_474] : memref<51200x1024xf32, #tpu.memory_space<hbm>> -> memref<8x1024xf32, #tpu.memory_space<hbm>>
    %dma_start3A_476 = arith.constant 0 : i32
    %dma_start3A_477 = arith.constant 0 : i32
    %dma_start3A_478 = tpu.memref_slice %arg7[%arg1, %dma_start3A_473, %dma_start3A_476, %dma_start3A_477] : memref<16x4x8x1024xf32, #tpu.memory_space<vmem_shared>> -> memref<1x1x8x1024xf32, #tpu.memory_space<vmem_shared>>
    %dma_start3A_479 = tpu.memref_squeeze %dma_start3A_478 : memref<1x1x8x1024xf32, #tpu.memory_space<vmem_shared>> -> memref<8x1024xf32, #tpu.memory_space<vmem_shared>>
    tpu.enqueue_dma source(%dma_start3A_479 : memref<8x1024xf32, #tpu.memory_space<vmem_shared>>) target(%dma_start3A_475 : memref<8x1024xf32, #tpu.memory_space<hbm>>) target_semaphore(%arg16 : memref<!tpu.dma_semaphore, #tpu.memory_space<semaphore_mem>>)
    %dma_wait3A_480 = arith.constant 1 : i32
    %dma_wait3A_481 = arith.constant 1 : i32
    %dma_wait3A_482 = arith.constant 0 : i32
    %dma_wait3A_483 = arith.constant 0 : i32
    %dma_wait3A_484 = tpu.memref_slice %arg6[%dma_wait3A_480, %dma_wait3A_482, %dma_wait3A_483] : memref<4x8x1024xf32, #tpu.memory_space<vmem>> -> memref<1x8x1024xf32, #tpu.memory_space<vmem>>
    %dma_wait3A_485 = tpu.memref_squeeze %dma_wait3A_484 : memref<1x8x1024xf32, #tpu.memory_space<vmem>> -> memref<8x1024xf32, #tpu.memory_space<vmem>>
    %dma_wait3A_486 = arith.constant 0 : i32
    %dma_wait3A_487 = arith.constant 0 : i32
    %dma_wait3A_488 = tpu.memref_slice %arg7[%arg1, %dma_wait3A_481, %dma_wait3A_486, %dma_wait3A_487] : memref<16x4x8x1024xf32, #tpu.memory_space<vmem_shared>> -> memref<1x1x8x1024xf32, #tpu.memory_space<vmem_shared>>
    %dma_wait3A_489 = tpu.memref_squeeze %dma_wait3A_488 : memref<1x1x8x1024xf32, #tpu.memory_space<vmem_shared>> -> memref<8x1024xf32, #tpu.memory_space<vmem_shared>>
    %dma_wait3A_490 = arith.constant 0 : i32
    %dma_wait3A_491 = arith.constant 0 : i32
    %dma_wait3A_492 = tpu.memref_slice %arg7[%arg1, %dma_wait3A_481, %dma_wait3A_490, %dma_wait3A_491] : memref<16x4x8x1024xf32, #tpu.memory_space<vmem_shared>> -> memref<1x1x8x1024xf32, #tpu.memory_space<vmem_shared>>
    %dma_wait3A_493 = tpu.memref_squeeze %dma_wait3A_492 : memref<1x1x8x1024xf32, #tpu.memory_space<vmem_shared>> -> memref<8x1024xf32, #tpu.memory_space<vmem_shared>>
    %dma_wait3A_494 = arith.constant 0 : i32
    %dma_wait3A_495 = arith.constant 0 : i32
    %dma_wait3A_496 = tpu.memref_slice %arg6[%dma_wait3A_480, %dma_wait3A_494, %dma_wait3A_495] : memref<4x8x1024xf32, #tpu.memory_space<vmem>> -> memref<1x8x1024xf32, #tpu.memory_space<vmem>>
    %dma_wait3A_497 = tpu.memref_squeeze %dma_wait3A_496 : memref<1x8x1024xf32, #tpu.memory_space<vmem>> -> memref<8x1024xf32, #tpu.memory_space<vmem>>
    tpu.wait_dma2 semaphore(%arg13 : memref<!tpu.dma_semaphore, #tpu.memory_space<semaphore_mem>>) src(%dma_wait3A_497 : memref<8x1024xf32, #tpu.memory_space<vmem>>) dst(%dma_wait3A_493 : memref<8x1024xf32, #tpu.memory_space<vmem_shared>>)
    %add3A_498 = arith.constant 1576 : i32
    %add3A_499 = arith.addi %mul3A_2, %add3A_498 : i32
    %dma_start3A_500 = arith.constant 1 : i32
    %dma_start3A_501 = arith.constant 0 : i32
    %dma_start3A_502 = tpu.memref_slice %arg4[%add3A_499, %dma_start3A_501] : memref<51200x1024xf32, #tpu.memory_space<hbm>> -> memref<8x1024xf32, #tpu.memory_space<hbm>>
    %dma_start3A_503 = arith.constant 0 : i32
    %dma_start3A_504 = arith.constant 0 : i32
    %dma_start3A_505 = tpu.memref_slice %arg7[%arg1, %dma_start3A_500, %dma_start3A_503, %dma_start3A_504] : memref<16x4x8x1024xf32, #tpu.memory_space<vmem_shared>> -> memref<1x1x8x1024xf32, #tpu.memory_space<vmem_shared>>
    %dma_start3A_506 = tpu.memref_squeeze %dma_start3A_505 : memref<1x1x8x1024xf32, #tpu.memory_space<vmem_shared>> -> memref<8x1024xf32, #tpu.memory_space<vmem_shared>>
    tpu.enqueue_dma source(%dma_start3A_506 : memref<8x1024xf32, #tpu.memory_space<vmem_shared>>) target(%dma_start3A_502 : memref<8x1024xf32, #tpu.memory_space<hbm>>) target_semaphore(%arg17 : memref<!tpu.dma_semaphore, #tpu.memory_space<semaphore_mem>>)
    %dma_wait3A_507 = arith.constant 2 : i32
    %dma_wait3A_508 = arith.constant 2 : i32
    %dma_wait3A_509 = arith.constant 0 : i32
    %dma_wait3A_510 = arith.constant 0 : i32
    %dma_wait3A_511 = tpu.memref_slice %arg6[%dma_wait3A_507, %dma_wait3A_509, %dma_wait3A_510] : memref<4x8x1024xf32, #tpu.memory_space<vmem>> -> memref<1x8x1024xf32, #tpu.memory_space<vmem>>
    %dma_wait3A_512 = tpu.memref_squeeze %dma_wait3A_511 : memref<1x8x1024xf32, #tpu.memory_space<vmem>> -> memref<8x1024xf32, #tpu.memory_space<vmem>>
    %dma_wait3A_513 = arith.constant 0 : i32
    %dma_wait3A_514 = arith.constant 0 : i32
    %dma_wait3A_515 = tpu.memref_slice %arg7[%arg1, %dma_wait3A_508, %dma_wait3A_513, %dma_wait3A_514] : memref<16x4x8x1024xf32, #tpu.memory_space<vmem_shared>> -> memref<1x1x8x1024xf32, #tpu.memory_space<vmem_shared>>
    %dma_wait3A_516 = tpu.memref_squeeze %dma_wait3A_515 : memref<1x1x8x1024xf32, #tpu.memory_space<vmem_shared>> -> memref<8x1024xf32, #tpu.memory_space<vmem_shared>>
    %dma_wait3A_517 = arith.constant 0 : i32
    %dma_wait3A_518 = arith.constant 0 : i32
    %dma_wait3A_519 = tpu.memref_slice %arg7[%arg1, %dma_wait3A_508, %dma_wait3A_517, %dma_wait3A_518] : memref<16x4x8x1024xf32, #tpu.memory_space<vmem_shared>> -> memref<1x1x8x1024xf32, #tpu.memory_space<vmem_shared>>
    %dma_wait3A_520 = tpu.memref_squeeze %dma_wait3A_519 : memref<1x1x8x1024xf32, #tpu.memory_space<vmem_shared>> -> memref<8x1024xf32, #tpu.memory_space<vmem_shared>>
    %dma_wait3A_521 = arith.constant 0 : i32
    %dma_wait3A_522 = arith.constant 0 : i32
    %dma_wait3A_523 = tpu.memref_slice %arg6[%dma_wait3A_507, %dma_wait3A_521, %dma_wait3A_522] : memref<4x8x1024xf32, #tpu.memory_space<vmem>> -> memref<1x8x1024xf32, #tpu.memory_space<vmem>>
    %dma_wait3A_524 = tpu.memref_squeeze %dma_wait3A_523 : memref<1x8x1024xf32, #tpu.memory_space<vmem>> -> memref<8x1024xf32, #tpu.memory_space<vmem>>
    tpu.wait_dma2 semaphore(%arg14 : memref<!tpu.dma_semaphore, #tpu.memory_space<semaphore_mem>>) src(%dma_wait3A_524 : memref<8x1024xf32, #tpu.memory_space<vmem>>) dst(%dma_wait3A_520 : memref<8x1024xf32, #tpu.memory_space<vmem_shared>>)
    %add3A_525 = arith.constant 1584 : i32
    %add3A_526 = arith.addi %mul3A_2, %add3A_525 : i32
    %dma_start3A_527 = arith.constant 2 : i32
    %dma_start3A_528 = arith.constant 0 : i32
    %dma_start3A_529 = tpu.memref_slice %arg4[%add3A_526, %dma_start3A_528] : memref<51200x1024xf32, #tpu.memory_space<hbm>> -> memref<8x1024xf32, #tpu.memory_space<hbm>>
    %dma_start3A_530 = arith.constant 0 : i32
    %dma_start3A_531 = arith.constant 0 : i32
    %dma_start3A_532 = tpu.memref_slice %arg7[%arg1, %dma_start3A_527, %dma_start3A_530, %dma_start3A_531] : memref<16x4x8x1024xf32, #tpu.memory_space<vmem_shared>> -> memref<1x1x8x1024xf32, #tpu.memory_space<vmem_shared>>
    %dma_start3A_533 = tpu.memref_squeeze %dma_start3A_532 : memref<1x1x8x1024xf32, #tpu.memory_space<vmem_shared>> -> memref<8x1024xf32, #tpu.memory_space<vmem_shared>>
    tpu.enqueue_dma source(%dma_start3A_533 : memref<8x1024xf32, #tpu.memory_space<vmem_shared>>) target(%dma_start3A_529 : memref<8x1024xf32, #tpu.memory_space<hbm>>) target_semaphore(%arg18 : memref<!tpu.dma_semaphore, #tpu.memory_space<semaphore_mem>>)
    %dma_wait3A_534 = arith.constant 3 : i32
    %dma_wait3A_535 = arith.constant 3 : i32
    %dma_wait3A_536 = arith.constant 0 : i32
    %dma_wait3A_537 = arith.constant 0 : i32
    %dma_wait3A_538 = tpu.memref_slice %arg6[%dma_wait3A_534, %dma_wait3A_536, %dma_wait3A_537] : memref<4x8x1024xf32, #tpu.memory_space<vmem>> -> memref<1x8x1024xf32, #tpu.memory_space<vmem>>
    %dma_wait3A_539 = tpu.memref_squeeze %dma_wait3A_538 : memref<1x8x1024xf32, #tpu.memory_space<vmem>> -> memref<8x1024xf32, #tpu.memory_space<vmem>>
    %dma_wait3A_540 = arith.constant 0 : i32
    %dma_wait3A_541 = arith.constant 0 : i32
    %dma_wait3A_542 = tpu.memref_slice %arg7[%arg1, %dma_wait3A_535, %dma_wait3A_540, %dma_wait3A_541] : memref<16x4x8x1024xf32, #tpu.memory_space<vmem_shared>> -> memref<1x1x8x1024xf32, #tpu.memory_space<vmem_shared>>
    %dma_wait3A_543 = tpu.memref_squeeze %dma_wait3A_542 : memref<1x1x8x1024xf32, #tpu.memory_space<vmem_shared>> -> memref<8x1024xf32, #tpu.memory_space<vmem_shared>>
    %dma_wait3A_544 = arith.constant 0 : i32
    %dma_wait3A_545 = arith.constant 0 : i32
    %dma_wait3A_546 = tpu.memref_slice %arg7[%arg1, %dma_wait3A_535, %dma_wait3A_544, %dma_wait3A_545] : memref<16x4x8x1024xf32, #tpu.memory_space<vmem_shared>> -> memref<1x1x8x1024xf32, #tpu.memory_space<vmem_shared>>
    %dma_wait3A_547 = tpu.memref_squeeze %dma_wait3A_546 : memref<1x1x8x1024xf32, #tpu.memory_space<vmem_shared>> -> memref<8x1024xf32, #tpu.memory_space<vmem_shared>>
    %dma_wait3A_548 = arith.constant 0 : i32
    %dma_wait3A_549 = arith.constant 0 : i32
    %dma_wait3A_550 = tpu.memref_slice %arg6[%dma_wait3A_534, %dma_wait3A_548, %dma_wait3A_549] : memref<4x8x1024xf32, #tpu.memory_space<vmem>> -> memref<1x8x1024xf32, #tpu.memory_space<vmem>>
    %dma_wait3A_551 = tpu.memref_squeeze %dma_wait3A_550 : memref<1x8x1024xf32, #tpu.memory_space<vmem>> -> memref<8x1024xf32, #tpu.memory_space<vmem>>
    tpu.wait_dma2 semaphore(%arg15 : memref<!tpu.dma_semaphore, #tpu.memory_space<semaphore_mem>>) src(%dma_wait3A_551 : memref<8x1024xf32, #tpu.memory_space<vmem>>) dst(%dma_wait3A_547 : memref<8x1024xf32, #tpu.memory_space<vmem_shared>>)
    %add3A_552 = arith.constant 1592 : i32
    %add3A_553 = arith.addi %mul3A_2, %add3A_552 : i32
    %dma_start3A_554 = arith.constant 3 : i32
    %dma_start3A_555 = arith.constant 0 : i32
    %dma_start3A_556 = tpu.memref_slice %arg4[%add3A_553, %dma_start3A_555] : memref<51200x1024xf32, #tpu.memory_space<hbm>> -> memref<8x1024xf32, #tpu.memory_space<hbm>>
    %dma_start3A_557 = arith.constant 0 : i32
    %dma_start3A_558 = arith.constant 0 : i32
    %dma_start3A_559 = tpu.memref_slice %arg7[%arg1, %dma_start3A_554, %dma_start3A_557, %dma_start3A_558] : memref<16x4x8x1024xf32, #tpu.memory_space<vmem_shared>> -> memref<1x1x8x1024xf32, #tpu.memory_space<vmem_shared>>
    %dma_start3A_560 = tpu.memref_squeeze %dma_start3A_559 : memref<1x1x8x1024xf32, #tpu.memory_space<vmem_shared>> -> memref<8x1024xf32, #tpu.memory_space<vmem_shared>>
    tpu.enqueue_dma source(%dma_start3A_560 : memref<8x1024xf32, #tpu.memory_space<vmem_shared>>) target(%dma_start3A_556 : memref<8x1024xf32, #tpu.memory_space<hbm>>) target_semaphore(%arg19 : memref<!tpu.dma_semaphore, #tpu.memory_space<semaphore_mem>>)
    %add3A_561 = arith.constant 1568 : i32
    %add3A_562 = arith.addi %mul3A_2, %add3A_561 : i32
    %dma_wait3A_563 = arith.constant 0 : i32
    %dma_wait3A_564 = arith.constant 0 : i32
    %dma_wait3A_565 = tpu.memref_slice %arg4[%add3A_562, %dma_wait3A_564] : memref<51200x1024xf32, #tpu.memory_space<hbm>> -> memref<8x1024xf32, #tpu.memory_space<hbm>>
    %dma_wait3A_566 = arith.constant 0 : i32
    %dma_wait3A_567 = arith.constant 0 : i32
    %dma_wait3A_568 = tpu.memref_slice %arg7[%arg1, %dma_wait3A_563, %dma_wait3A_566, %dma_wait3A_567] : memref<16x4x8x1024xf32, #tpu.memory_space<vmem_shared>> -> memref<1x1x8x1024xf32, #tpu.memory_space<vmem_shared>>
    %dma_wait3A_569 = tpu.memref_squeeze %dma_wait3A_568 : memref<1x1x8x1024xf32, #tpu.memory_space<vmem_shared>> -> memref<8x1024xf32, #tpu.memory_space<vmem_shared>>
    tpu.wait_dma2 semaphore(%arg16 : memref<!tpu.dma_semaphore, #tpu.memory_space<semaphore_mem>>) src(%dma_wait3A_569 : memref<8x1024xf32, #tpu.memory_space<vmem_shared>>) dst(%dma_wait3A_565 : memref<8x1024xf32, #tpu.memory_space<hbm>>)
    %add3A_570 = arith.constant 1576 : i32
    %add3A_571 = arith.addi %mul3A_2, %add3A_570 : i32
    %dma_wait3A_572 = arith.constant 1 : i32
    %dma_wait3A_573 = arith.constant 0 : i32
    %dma_wait3A_574 = tpu.memref_slice %arg4[%add3A_571, %dma_wait3A_573] : memref<51200x1024xf32, #tpu.memory_space<hbm>> -> memref<8x1024xf32, #tpu.memory_space<hbm>>
    %dma_wait3A_575 = arith.constant 0 : i32
    %dma_wait3A_576 = arith.constant 0 : i32
    %dma_wait3A_577 = tpu.memref_slice %arg7[%arg1, %dma_wait3A_572, %dma_wait3A_575, %dma_wait3A_576] : memref<16x4x8x1024xf32, #tpu.memory_space<vmem_shared>> -> memref<1x1x8x1024xf32, #tpu.memory_space<vmem_shared>>
    %dma_wait3A_578 = tpu.memref_squeeze %dma_wait3A_577 : memref<1x1x8x1024xf32, #tpu.memory_space<vmem_shared>> -> memref<8x1024xf32, #tpu.memory_space<vmem_shared>>
    tpu.wait_dma2 semaphore(%arg17 : memref<!tpu.dma_semaphore, #tpu.memory_space<semaphore_mem>>) src(%dma_wait3A_578 : memref<8x1024xf32, #tpu.memory_space<vmem_shared>>) dst(%dma_wait3A_574 : memref<8x1024xf32, #tpu.memory_space<hbm>>)
    %add3A_579 = arith.constant 1584 : i32
    %add3A_580 = arith.addi %mul3A_2, %add3A_579 : i32
    %dma_wait3A_581 = arith.constant 2 : i32
    %dma_wait3A_582 = arith.constant 0 : i32
    %dma_wait3A_583 = tpu.memref_slice %arg4[%add3A_580, %dma_wait3A_582] : memref<51200x1024xf32, #tpu.memory_space<hbm>> -> memref<8x1024xf32, #tpu.memory_space<hbm>>
    %dma_wait3A_584 = arith.constant 0 : i32
    %dma_wait3A_585 = arith.constant 0 : i32
    %dma_wait3A_586 = tpu.memref_slice %arg7[%arg1, %dma_wait3A_581, %dma_wait3A_584, %dma_wait3A_585] : memref<16x4x8x1024xf32, #tpu.memory_space<vmem_shared>> -> memref<1x1x8x1024xf32, #tpu.memory_space<vmem_shared>>
    %dma_wait3A_587 = tpu.memref_squeeze %dma_wait3A_586 : memref<1x1x8x1024xf32, #tpu.memory_space<vmem_shared>> -> memref<8x1024xf32, #tpu.memory_space<vmem_shared>>
    tpu.wait_dma2 semaphore(%arg18 : memref<!tpu.dma_semaphore, #tpu.memory_space<semaphore_mem>>) src(%dma_wait3A_587 : memref<8x1024xf32, #tpu.memory_space<vmem_shared>>) dst(%dma_wait3A_583 : memref<8x1024xf32, #tpu.memory_space<hbm>>)
    %add3A_588 = arith.constant 1592 : i32
    %add3A_589 = arith.addi %mul3A_2, %add3A_588 : i32
    %dma_wait3A_590 = arith.constant 3 : i32
    %dma_wait3A_591 = arith.constant 0 : i32
    %dma_wait3A_592 = tpu.memref_slice %arg4[%add3A_589, %dma_wait3A_591] : memref<51200x1024xf32, #tpu.memory_space<hbm>> -> memref<8x1024xf32, #tpu.memory_space<hbm>>
    %dma_wait3A_593 = arith.constant 0 : i32
    %dma_wait3A_594 = arith.constant 0 : i32
    %dma_wait3A_595 = tpu.memref_slice %arg7[%arg1, %dma_wait3A_590, %dma_wait3A_593, %dma_wait3A_594] : memref<16x4x8x1024xf32, #tpu.memory_space<vmem_shared>> -> memref<1x1x8x1024xf32, #tpu.memory_space<vmem_shared>>
    %dma_wait3A_596 = tpu.memref_squeeze %dma_wait3A_595 : memref<1x1x8x1024xf32, #tpu.memory_space<vmem_shared>> -> memref<8x1024xf32, #tpu.memory_space<vmem_shared>>
    tpu.wait_dma2 semaphore(%arg19 : memref<!tpu.dma_semaphore, #tpu.memory_space<semaphore_mem>>) src(%dma_wait3A_596 : memref<8x1024xf32, #tpu.memory_space<vmem_shared>>) dst(%dma_wait3A_592 : memref<8x1024xf32, #tpu.memory_space<hbm>>)
    return
  }
}

</mosaic_0001>

<sc_bundles>
// kernel: _encode.3.cloned.1.call-start
scs
__scs_entry_jumppad:
0x0: {  	(pc) =	sbr.rel $0x88, $3  }
0x1: {  	(tag) =	ssettag $0x0;
	lr =	simm.s32 $0x1  }
0x2: {  	[smem:$0x3F9F] =	sst lr;
	_ =	strace $0xD0000000  }
0x3: {  	_ = 	snop  }
0x4: {  	_ = 	snop  }
0x5: {  	_ = 	snop  }
0x6: {  	_ = 	snop  }
0x7: {  	_ = 	snop  }
__scs_overlays_trampoline_lowered:
0x8: {  	[smem:$0x3FAE] =	sst s0  }
0x9: {  	[smem:$0x3FAF] =	sst s1  }
0xa: {  	[smem:$0x3FB0] =	sst s2  }
0xb: {  	[smem:$0x3FB1] =	sst s3  }
0xc: {  	[smem:$0x3FB2] =	sst s4  }
0xd: {  	[smem:$0x3FB3] =	sst s5  }
0xe: {  	[smem:$0x3FB4] =	sst s6  }
0xf: {  	[smem:$0x3FB5] =	sst s7  }
0x10: {  	[smem:$0x3FB6] =	sst s8  }
0x11: {  	[smem:$0x3FB7] =	sst s9;
	s0 =	simm.s32 @!p0 $0x0  }
0x12: {  	s1 =	sld [smem:$0x3F9D];
	s0 =	simm.s32 @p0 $0x1  }
0x13: {  	[smem:$0x3FB8] =	sst s0;
	s0 =	simm.s32 @!p1 $0x0  }
0x14: {  	s2 =	sld [smem:$0x3F9C];
	s0 =	simm.s32 @p1 $0x1  }
0x15: {  	[smem:$0x3FB9] =	sst s0;
	s0 =	simm.s32 @!p2 $0x0  }
0x16: {  	s3 =	sld [smem:$0x3FDB];
	s0 =	simm.s32 @p2 $0x1  }
0x17: {  	s4 =	simm.s32 $0x1BF5;
	[smem:$0x3FBB] =	sst s0  }
0x18: {  	s0 =	sld [smem:$0x3F9E];
	_ =	swait.ge [sflag:s4], $0x0  }
0x19: {  	s7 =	sld [smem:$0x3F9F]  }
0x1a: {  	s8 =	sadd.s32 $0xFFFFE003, lr  }
0x1b: {  	s9 =	sadd.s32 $0xFFFFFEF7, lr;
	s5 =	simm.s32 $0xFFFFFFFF;
	p2 =	slt.u32 s8, $0xFFFFF086  }
0x1c: {  	p1 =	slt.u32 s9, $0xF7A;
	s5 =	simm.s32 @!p2 $0x0  }
0x1d: {  	s5 =	simm.s32 @p1 $0x1;
	p0 =	seq.s32 s7, s2  }
0x1e: {  	s7 =	smul.u32 @!p0 $0xF7A, s2;
	p2 =	seq.s32 @!p0 s5, $0x0  }
0x1f: {  	s9 =	smul.u32 $0xF7A, s1;
	s8 =	simm.s32 @!p0 $0x1BF5;
	p2 =	por !p2, p0  }
0x20: {  	[sflag:s8] =	ssyncset.s32 @!p0 $0xFFFFF086;
	s6 =	sadd.s32 @!p0 s3, s7;
	s7 =	simm.s32 @!p0 $0x108  }
0x21: {  	s3 =	sadd.s32 s3, s9;
	s6 =	sadd.s32 @!p0 $0x88, s6;
	s7 =	simm.s32 @p2 $0x1082  }
0x22: {  	[simem:s7], [sflag:s8] =	dma.local @!p0 [hbm:s6], $0xF7A  }
0x23: {  	s9 =	sor.u32 $0xD0000000, s2;
	s6 =	simm.s32 $0x108;
	_ =	swait.ge @!p0 [sflag:s8], $0x0  }
0x24: {  	s3 =	sadd.s32 $0x88, s3;
	s6 =	simm.s32 @!p1 $0x1082;
	[sflag:s4] =	ssyncset.s32 $0xFFFFF086  }
0x25: {  	[simem:s6], [sflag:s4] =	dma.local [hbm:s3], $0xF7A  }
0x26: {  	[smem:$0x3F9F] =	sst s1;
	(tag) =	ssettag s2;
	_ =	strace s9  }
0x27: {  	s1 =	sld [smem:$0x3FAF]  }
0x28: {  	s2 =	sld [smem:$0x3FB0]  }
0x29: {  	s4 =	sld [smem:$0x3FB2]  }
0x2a: {  	p0 =	seq.s32 s5, $0x0;
	s5 =	sld [smem:$0x3FB3]  }
0x2b: {  	s6 =	sld [smem:$0x3FB4]  }
0x2c: {  	s7 =	sld [smem:$0x3FB5]  }
0x2d: {  	s3 =	simm.s32 $0x108;
	s8 =	sld [smem:$0x3FB6]  }
0x2e: {  	s3 =	simm.s32 @!p0 $0x1082;
	s9 =	sld [smem:$0x3FB7]  }
0x2f: {  	lr =	sadd.s32 s0, s3;
	s0 =	sld [smem:$0x3FAE]  }
0x30: {  	s3 =	sld [smem:$0x3FB1]  }
0x31: {  	[smem:$0x3FBA] =	sst s10  }
0x32: {  	s10 =	sld [smem:$0x3FB8];
	_ =	sdelay $0x3  }
0x33: {  	p0 =	seq.s32 s10, $0x1;
	s10 =	sld [smem:$0x3FBA];
	_ =	sdelay $0x3  }
0x34: {  	[smem:$0x3FBA] =	sst s10  }
0x35: {  	s10 =	sld [smem:$0x3FB9];
	_ =	sdelay $0x3  }
0x36: {  	p1 =	seq.s32 s10, $0x1;
	s10 =	sld [smem:$0x3FBA];
	_ =	sdelay $0x3  }
0x37: {  	[smem:$0x3FBA] =	sst s10  }
0x38: {  	s10 =	sld [smem:$0x3FBB]  }
0x39: {  	_ = 	snop;
	(pc) =	sbr.ind lr, $3  }
0x3a: {  	_ = 	snop  }
0x3b: {  	_ = 	snop  }
0x3c: {  	p2 =	seq.s32 s10, $0x1;
	s10 =	sld [smem:$0x3FBA]  }
0x3d: {  	_ =	shalt  }
0x3e: {  	_ =	shalt  }
0x3f: {  	_ =	shalt  }
0x40: {  	_ =	shalt  }
0x41: {  	_ =	shalt  }
0x42: {  	_ =	shalt  }
0x43: {  	_ =	shalt  }
0x44: {  	_ =	shalt  }
0x45: {  	_ =	shalt  }
0x46: {  	_ =	shalt  }
0x47: {  	_ =	shalt  }
0x48: {  	_ =	shalt  }
0x49: {  	_ =	shalt  }
0x4a: {  	_ =	shalt  }
0x4b: {  	_ =	shalt  }
0x4c: {  	_ =	shalt  }
0x4d: {  	_ =	shalt  }
0x4e: {  	_ =	shalt  }
0x4f: {  	_ =	shalt  }
0x50: {  	_ =	shalt  }
0x51: {  	_ =	shalt  }
0x52: {  	_ =	shalt  }
0x53: {  	_ =	shalt  }
0x54: {  	_ =	shalt  }
0x55: {  	_ =	shalt  }
0x56: {  	_ =	shalt  }
0x57: {  	_ =	shalt  }
0x58: {  	_ =	shalt  }
0x59: {  	_ =	shalt  }
0x5a: {  	_ =	shalt  }
0x5b: {  	_ =	shalt  }
0x5c: {  	_ =	shalt  }
0x5d: {  	_ =	shalt  }
0x5e: {  	_ =	shalt  }
0x5f: {  	_ =	shalt  }
0x60: {  	_ =	shalt  }
0x61: {  	_ =	shalt  }
0x62: {  	_ =	shalt  }
0x63: {  	_ =	shalt  }
0x64: {  	_ =	shalt  }
0x65: {  	_ =	shalt  }
0x66: {  	_ =	shalt  }
0x67: {  	_ =	shalt  }
0x68: {  	_ =	shalt  }
0x69: {  	_ =	shalt  }
0x6a: {  	_ =	shalt  }
0x6b: {  	_ =	shalt  }
0x6c: {  	_ =	shalt  }
0x6d: {  	_ =	shalt  }
0x6e: {  	_ =	shalt  }
0x6f: {  	_ =	shalt  }
0x70: {  	_ =	shalt  }
0x71: {  	_ =	shalt  }
0x72: {  	_ =	shalt  }
0x73: {  	_ =	shalt  }
0x74: {  	_ =	shalt  }
0x75: {  	_ =	shalt  }
0x76: {  	_ =	shalt  }
0x77: {  	_ =	shalt  }
0x78: {  	_ =	shalt  }
0x79: {  	_ =	shalt  }
0x7a: {  	_ =	shalt  }
0x7b: {  	_ =	shalt  }
0x7c: {  	_ =	shalt  }
0x7d: {  	_ =	shalt  }
0x7e: {  	_ =	shalt  }
0x7f: {  	_ =	shalt  }
0x80: {  	_ =	shalt  }
0x81: {  	_ =	shalt  }
0x82: {  	_ =	shalt  }
0x83: {  	_ =	shalt  }
0x84: {  	_ =	shalt  }
0x85: {  	_ =	shalt  }
0x86: {  	_ =	shalt  }
0x87: {  	_ =	shalt  }
.Lfunc_end0:
.L_simem_size_0:
called_computation.1_lowered:
.L_overlay_start_0:
0x88: {  	s2 =	sld [smem:$0x3FD9]  }
0x89: {  	s3 =	sld [smem:$0x3FFE];
	_ =	sdelay $0x1  }
0x8a: {  	s1 =	srdreg.scid  }
0x8b: {  	s0 =	sand.u32 $0x1, s1  }
0x8c: {  	s17 =	sshll.u32 s0, $0xA;
	s2 =	sadd.s32 s3, s2  }
0x8d: {  	s2 =	sadd.s32 s2, s17  }
0x8e: {  	[smem:$0x3FC6] =	sst s2  }
0x8f: {  	_ = 	snop  }
0x90: {  	s2 =	sld [smem:$0x3FC8]  }
0x91: {  	s18 =	sld [smem:$0x3FD0];
	(tm) =	ssettm $0x1  }
0x92: {  	s4 =	sld [smem:$0x3FFB];
	_ =	sdelay $0x3  }
0x93: {  	_ =	strace s4  }
0x94: {  	s4 =	sld [smem:$0x3FFC];
	_ =	sdelay $0x3  }
0x95: {  	_ =	strace s4  }
0x96: {  	s4 =	sld [smem:$0x3FFD];
	_ =	sdelay $0x3  }
0x97: {  	_ =	strace s4  }
0x98: {  	_ =	strace $0x8FFFFFFF  }
0x99: {  	s19 =	sld [smem:$0x3FDB];
	_ =	sdelay $0x1  }
0x9a: {  	s5 =	simm.s32 $_scs_section_size  }
0x9b: {  	s6 =	simm.s32 $_size__tile_overlayer_lowered;
	s7 =	simm.s32 $_tile_overlayer_lowered  }
0x9c: {  	s22 =	simm.s32 $0x1BFF;
	s21 =	sshll.u32 s7, $0x1;
	s4 =	sadd.s32 s5, s19  }
0x9d: {  	s8 =	simm.s32 $0x0;
	s20 =	sshll.u32 s6, $0x1;
	s6 =	sadd.s32 s21, s4  }
0x9e: {  	[timem:s8], [sflag:s22] =	dma.local [hbm:s6], s20  }
0x9f: {  	_ =	swait.ge [sflag:s22], s20  }
0xa0: {  	s5 =	ssub.s32 $0x0, s20;
	[sflag:s22] =	ssyncset.done $0x0  }
0xa1: {  	[sflag:s22] =	ssyncadd.s32 s5;
	_ =	sdelay $0x1  }
0xa2: {  	s23 =	simm.s32 $0x1B8B  }
0xa3: {  	_ =	swait.ge [sflag:s23], $0x1  }
0xa4: {  	[sflag:s23] =	ssyncset.done $0x0  }
0xa5: {  	s25 =	simm.s32 $0x1B8E;
	s24 =	sld [smem:$0x3FFE];
	[sflag:s23] =	ssyncadd.s32 $0xFFFFFFFF  }
0xa6: {  	s26 =	simm.s32 $execute0_lowered;
	[smem:$0x3FD2] =	sst s25  }
0xa7: {  	s6 =	sshll.u32 s26, $0x1;
	_ =	strace $0x80000046;
	[dreg:$0x1] =	wrdreg $0xFFFFFFFF  }
0xa8: {  	s28 =	simm.s32 $_size_execute0_lowered;
	s4 =	sadd.s32 s4, s6;
	[dreg:$0x0] =	wrdreg $0x0  }
0xa9: {  	s6 =	sshll.u32 s28, $0x1;
	[dreg:$0x2] =	wrdreg s4  }
0xaa: {  	[dreg:$0x3] =	wrdreg s6  }
0xab: {  	[dreg:$0x4] =	wrdreg $0xC0  }
0xac: {  	_ =	task [dreg:s8], $0x5FFFF  }
0xad: {  	[dreg:$0x1] =	wrdreg $0xFFFFFFFF  }
0xae: {  	[dreg:$0x0] =	wrdreg $0x60  }
0xaf: {  	[dreg:$0x2] =	wrdreg s24  }
0xb0: {  	[dreg:$0x3] =	wrdreg s2  }
0xb1: {  	[dreg:$0x4] =	wrdreg s18  }
0xb2: {  	[dreg:$0x5] =	wrdreg $0x86800  }
0xb3: {  	[dreg:$0x6] =	wrdreg $0x9  }
0xb4: {  	_ =	task.clear_ibuf [dreg:s8], $0x7FFFF;
	_ =	strace $0x90000046  }
0xb5: {  	s29 =	simm.s32 $0x9;
	_ =	strace $0x80000048  }
0xb6: {  	_ =	swait.ge [sflag:s29], $0x1  }
0xb7: {  	[sflag:s29] =	ssyncadd.s32 $0xFFFFFFFF  }
0xb8: {  	_ =	strace $0x90000048  }
0xb9: {  	_ =	sfence  }
0xba: {  	s30 =	sld [smem:$0x0];
	_ =	sdelay $0x2  }
0xbb: {  	s31 =	sshll.u32 s1, $0xD;
	s1 =	sshrl.u32 s1, $0x2  }
0xbc: {  	s3 =	sand.u32 $0x4000, s31;
	s1 =	sadd.s32 s1, s30  }
0xbd: {  	s0 =	sor.u32 s3, s0;
	s1 =	sshll.u32 s1, $0x11  }
0xbe: {  	s0 =	sor.u32 s1, s0  }
0xbf: {  	s0 =	sadd.s32 $0x8F2B, s0  }
0xc0: {  	[sflag:s0] =	ssyncadd.remote.s32 $0x1  }
0xc1: {  	_ =	sfence.sel $0xFFFF  }
0xc2: {  	[dreg:$0x0] =	wrdreg $0xFFFFFFFF;
	(pc) =	sbr.abs _section_cstart, $3  }
0xc3: {  	[dreg:$0x1] =	wrdreg $0xFFFFFFFF  }
0xc4: {  	_ =	task.clear_ibuf [dreg:s8], $0x2FFFF;
	_ =	strace $0x9FFFFFFF  }
0xc5: {  	(tm) =	ssettm $0x7FFFFFFF  }
tec
execute0_lowered:
.L_overlay_start_1:
0x0: {  	(tag) =	ssettag $0x1  }
0x1: {  	s0 =	rddreg [dreg:$0x0]  }
0x2: {  	s1 =	rddreg [dreg:$0x1]  }
0x3: {  	s2 =	srdreg.scid;
	s4 =	rddreg [dreg:$0x2]  }
0x4: {  	s10 =	stileid.u32;
	s8 =	rddreg [dreg:$0x3];
	s13 =	simm.s32 $0xE80  }
0x5: {  	s15 =	simm.s32 $0x1680;
	s28 =	simm.s32 $0xA;
	s29 =	simm.s32 $0xB  }
0x6: {  	s30 =	simm.s32 $0xC;
	s2 =	sand.u32 $0x1, s2;
	s3 =	sshll.u32 s10, $0x1  }
0x7: {  	s16 =	sshll.u32 s10, $0xF;
	s21 =	smul.u32 $0x64000, s10;
	s10 =	simm.s32 $0x0  }
0x8: {  	s7 =	sor.u32 s2, s3;
	s3 =	simm.s32 $0x0;
	s6 =	ssub.s32 $0x2, s2  }
0x9: {  	s11 =	sadd.s32 s16, s8;
	s8 =	sadd.s32 $0x300, s1;
	s2 =	smul.u32 $0x32000, s2  }
0xa: {  	s16 =	simm.s32 $0x1E80;
	s5 =	smul.u32 $0x640, s7;
	[smem:$0x7FF] =	sst s3  }
0xb: {  	s9 =	sshrl.u32 s6, $0x1;
	s17 =	smul.u32 $0x32000, s7;
	s12 =	sadd.s32 $0x2000, s11  }
0xc: {  	s18 =	sadd.s32 $0x4000, s11;
	_ =	strace $0x80000047;
	[dreg:$0x8] =	wrdreg s12  }
0xd: {  	s7 =	smul.u32 $0x190000, s7;
	s9 =	ssub.s32 s6, s9;
	[dreg:$0x9] =	wrdreg s18  }
0xe: {  	s6 =	sadd.s32 $0x200, s1;
	[dreg:$0x7] =	wrdreg s11;
	s11 =	sadd.s32 $0x6000, s11  }
0xf: {  	s18 =	simm.s32 $0x2E80;
	s5 =	sshrl.u32 s5, $0x3;
	[dreg:$0xa] =	wrdreg s11  }
0x10: {  	s19 =	sadd.s32 s4, s17;
	s20 =	sshrl.u32 s7, $0x3;
	s31 =	smax.u32 s9, $0x1  }
0x11: {  	s17 =	simm.s32 $0x3680;
	s7 =	simm.s32 $0x7680;
	[dreg:$0xb] =	wrdreg s19  }
0x12: {  	s0 =	sadd.s32 s5, s0;
	s22 =	sadd.s32 $0x800, s19;
	[dreg:$0x13] =	wrdreg s31  }
0x13: {  	s9 =	simm.s32 $0x7E80;
	s0 =	sadd.s32 $0x800, s0;
	[dreg:$0xd] =	wrdreg s22  }
0x14: {  	s5 =	sadd.s32 $0x100, s1;
	[dreg:$0x6] =	wrdreg s0;
	s0 =	sadd.s32 $0x400, s19  }
0x15: {  	s23 =	sadd.s32 $0xC00, s19;
	[dreg:$0xc] =	wrdreg s0;
	s0 =	sadd.s32 s4, s20  }
0x16: {  	[dreg:$0xe] =	wrdreg s23;
	s23 =	simm.s32 $0x7;
	s24 =	sadd.s32 $0x31000, s0  }
0x17: {  	s19 =	simm.s32 $0x4E80;
	s25 =	sadd.s32 $0x31400, s0;
	[dreg:$0xf] =	wrdreg s24  }
0x18: {  	s4 =	sadd.s32 s21, s4;
	s26 =	sadd.s32 $0x31800, s0;
	[dreg:$0x10] =	wrdreg s25  }
0x19: {  	s20 =	simm.s32 $0x6E80;
	s0 =	sadd.s32 $0x31C00, s0;
	[dreg:$0x11] =	wrdreg s26  }
0x1a: {  	v0 =	vlaneseq.u32;
	s21 =	simm.s32 $0x6;
	s2 =	sadd.s32 s2, s4;
	[dreg:$0x12] =	wrdreg s0  }
0x1b: {  	v1 =	vshrl.u32 v0, $0x3;
	s4 =	simm.s32 $0x5E80;
	[dreg:$0x5] =	wrdreg s2;
	s26 =	simm.s32 $0x3E80  }
0x1c: {  	vm0 =	vmmov $0xffff;
	v0 =	vand.u32 $0x7, v0;
	v1 =	vmul.u32 $0x8, v1;
	s2 =	simm.s32 $0x5680;
	s24 =	simm.s32 $0x8;
	s25 =	simm.s32 $0x9  }
.LBB2_1:
0x1d: {  	[dreg:$0x14] =	wrdreg s10  }
0x1e: {  	s0 =	rddreg [dreg:$0x6];
	s10 =	simm.s32 $0xD  }
0x1f: {  	[tilespmem:s3], [sflag:$0xD] =	stream.linear.gather [hbm4b:s0+s3], $0x640, $0x38;
	[tilespmem:$0x10680] =	vst v63  }
0x20: {  	_ =	swait.ge [sflag:s10], $0x640  }
0x21: {  	[sflag:s10] =	ssyncset.done $0x0  }
0x22: {  	[sflag:s10] =	ssyncadd.s32 $0xFFFFF9C0  }
0x23: {  	v2 =	vld.msk [tilespmem:$0x0], $0xff;
	_ =	sdelay $0x4  }
0x24: {  	v3 =	vshll.u32 v2, $0x3  }
0x25: {  	v2 =	vand.u32 $0x7, v2;
	v3 =	vand.u32 $0xFFFFFFC0, v3  }
0x26: {  	v2 =	vor.u32 v2, v3  }
0x27: {  	v2 =	vperm.xlane v2, v0;
	_ =	sdelay $0x1  }
0x28: {  	v2 =	vadd.s32 v1, v2;
	_ =	sdelay $0x3  }
0x29: {  	s14 =	simm.s32 $0x680  }
0x2a: {  	[tilespmem:s14], [sflag:$0x1] =	stream.indirect_vreg.gather [hbm4b:s1+s3], $0x80, v2, vm0, $0xb8;
	[tilespmem:$0x10680] =	vst v63  }
0x2b: {  	_ = 	snop  }
0x2c: {  	[tilespmem:s13], [sflag:$0x1] =	stream.indirect_vreg.gather [hbm4b:s5+s3], $0x80, v2, vm0, $0xb8;
	[tilespmem:$0x10680] =	vst v63  }
0x2d: {  	_ = 	snop  }
0x2e: {  	[tilespmem:s15], [sflag:$0x1] =	stream.indirect_vreg.gather [hbm4b:s6+s3], $0x80, v2, vm0, $0xb8;
	[tilespmem:$0x10680] =	vst v63  }
0x2f: {  	_ = 	snop  }
0x30: {  	[tilespmem:s16], [sflag:$0x1] =	stream.indirect_vreg.gather [hbm4b:s8+s3], $0x80, v2, vm0, $0xb8;
	[tilespmem:$0x10680] =	vst v63  }
0x31: {  	v2 =	vld.msk [tilespmem:$0x8], $0xff;
	_ =	sdelay $0x4  }
0x32: {  	v3 =	vshll.u32 v2, $0x3  }
0x33: {  	v2 =	vand.u32 $0x7, v2;
	v3 =	vand.u32 $0xFFFFFFC0, v3  }
0x34: {  	v2 =	vor.u32 v2, v3  }
0x35: {  	v2 =	vperm.xlane v2, v0;
	_ =	sdelay $0x1  }
0x36: {  	v2 =	vadd.s32 v1, v2;
	_ =	sdelay $0x3  }
0x37: {  	s22 =	simm.s32 $0x2680  }
0x38: {  	[tilespmem:s22], [sflag:$0x2] =	stream.indirect_vreg.gather [hbm4b:s1+s3], $0x80, v2, vm0, $0xb8;
	[tilespmem:$0x10680] =	vst v63  }
0x39: {  	_ = 	snop  }
0x3a: {  	[tilespmem:s18], [sflag:$0x2] =	stream.indirect_vreg.gather [hbm4b:s5+s3], $0x80, v2, vm0, $0xb8;
	[tilespmem:$0x10680] =	vst v63  }
0x3b: {  	_ = 	snop  }
0x3c: {  	[tilespmem:s17], [sflag:$0x2] =	stream.indirect_vreg.gather [hbm4b:s6+s3], $0x80, v2, vm0, $0xb8;
	[tilespmem:$0x10680] =	vst v63  }
0x3d: {  	_ = 	snop  }
0x3e: {  	[tilespmem:s26], [sflag:$0x2] =	stream.indirect_vreg.gather [hbm4b:s8+s3], $0x80, v2, vm0, $0xb8;
	[tilespmem:$0x10680] =	vst v63  }
0x3f: {  	v2 =	vld.msk [tilespmem:$0x10], $0xff;
	_ =	sdelay $0x4  }
0x40: {  	v3 =	vshll.u32 v2, $0x3  }
0x41: {  	v2 =	vand.u32 $0x7, v2;
	v3 =	vand.u32 $0xFFFFFFC0, v3  }
0x42: {  	v2 =	vor.u32 v2, v3  }
0x43: {  	v2 =	vperm.xlane v2, v0;
	_ =	sdelay $0x1  }
0x44: {  	v2 =	vadd.s32 v1, v2;
	_ =	sdelay $0x3  }
0x45: {  	s31 =	simm.s32 $0x4680  }
0x46: {  	[tilespmem:s31], [sflag:$0x3] =	stream.indirect_vreg.gather [hbm4b:s1+s3], $0x80, v2, vm0, $0xb8;
	[tilespmem:$0x10680] =	vst v63  }
0x47: {  	_ = 	snop  }
0x48: {  	[tilespmem:s19], [sflag:$0x3] =	stream.indirect_vreg.gather [hbm4b:s5+s3], $0x80, v2, vm0, $0xb8;
	[tilespmem:$0x10680] =	vst v63  }
0x49: {  	_ = 	snop  }
0x4a: {  	[tilespmem:s2], [sflag:$0x3] =	stream.indirect_vreg.gather [hbm4b:s6+s3], $0x80, v2, vm0, $0xb8;
	[tilespmem:$0x10680] =	vst v63  }
0x4b: {  	_ = 	snop  }
0x4c: {  	[tilespmem:s4], [sflag:$0x3] =	stream.indirect_vreg.gather [hbm4b:s8+s3], $0x80, v2, vm0, $0xb8;
	[tilespmem:$0x10680] =	vst v63  }
0x4d: {  	v2 =	vld.msk [tilespmem:$0x18], $0xff;
	_ =	sdelay $0x4  }
0x4e: {  	v3 =	vshll.u32 v2, $0x3  }
0x4f: {  	v2 =	vand.u32 $0x7, v2;
	v3 =	vand.u32 $0xFFFFFFC0, v3  }
0x50: {  	v2 =	vor.u32 v2, v3  }
0x51: {  	v2 =	vperm.xlane v2, v0;
	_ =	sdelay $0x1  }
0x52: {  	v2 =	vadd.s32 v1, v2;
	_ =	sdelay $0x3  }
0x53: {  	s11 =	simm.s32 $0x6680  }
0x54: {  	[tilespmem:s11], [sflag:$0x4] =	stream.indirect_vreg.gather [hbm4b:s1+s3], $0x80, v2, vm0, $0xb8;
	[tilespmem:$0x10680] =	vst v63  }
0x55: {  	_ = 	snop  }
0x56: {  	[tilespmem:s20], [sflag:$0x4] =	stream.indirect_vreg.gather [hbm4b:s5+s3], $0x80, v2, vm0, $0xb8;
	[tilespmem:$0x10680] =	vst v63  }
0x57: {  	_ = 	snop  }
0x58: {  	[tilespmem:s7], [sflag:$0x4] =	stream.indirect_vreg.gather [hbm4b:s6+s3], $0x80, v2, vm0, $0xb8;
	[tilespmem:$0x10680] =	vst v63  }
0x59: {  	s7 =	simm.s32 $0x1  }
0x5a: {  	[tilespmem:s9], [sflag:$0x4] =	stream.indirect_vreg.gather [hbm4b:s8+s3], $0x80, v2, vm0, $0xb8;
	[tilespmem:$0x10680] =	vst v63  }
0x5b: {  	_ =	swait.ge [sflag:s7], $0x2000  }
0x5c: {  	[sflag:s7] =	ssyncset.done $0x0  }
0x5d: {  	s9 =	simm.s32 $0x2;
	s4 =	rddreg [dreg:$0x7];
	[sflag:s7] =	ssyncadd.s32 $0xFFFFE000  }
0x5e: {  	[spmem:s4] =	stream.linear.scatter [tilespmem:s14], [sflag:$0x5], $0x2000, $0x38;
	[tilespmem:$0x10680] =	vst v63  }
0x5f: {  	_ =	swait.ge [sflag:s9], $0x2000  }
0x60: {  	[sflag:s9] =	ssyncset.done $0x0  }
0x61: {  	s10 =	simm.s32 $0x3;
	[sflag:s9] =	ssyncadd.s32 $0xFFFFE000;
	s9 =	rddreg [dreg:$0x8]  }
0x62: {  	[spmem:s9] =	stream.linear.scatter [tilespmem:s22], [sflag:$0x6], $0x2000, $0x38;
	[tilespmem:$0x10680] =	vst v63  }
0x63: {  	_ =	swait.ge [sflag:s10], $0x2000  }
0x64: {  	[sflag:s10] =	ssyncset.done $0x0  }
0x65: {  	s11 =	simm.s32 $0x4;
	[sflag:s10] =	ssyncadd.s32 $0xFFFFE000;
	s10 =	rddreg [dreg:$0x9]  }
0x66: {  	[spmem:s10] =	stream.linear.scatter [tilespmem:s31], [sflag:$0x7], $0x2000, $0x38;
	[tilespmem:$0x10680] =	vst v63  }
0x67: {  	_ =	swait.ge [sflag:s11], $0x2000  }
0x68: {  	s12 =	simm.s32 $0x6680;
	[sflag:s11] =	ssyncset.done $0x0  }
0x69: {  	s2 =	simm.s32 $0x5;
	[sflag:s11] =	ssyncadd.s32 $0xFFFFE000;
	s11 =	rddreg [dreg:$0xa]  }
0x6a: {  	[spmem:s11] =	stream.linear.scatter [tilespmem:s12], [sflag:$0x8], $0x2000, $0x38;
	[tilespmem:$0x10680] =	vst v63  }
0x6b: {  	s12 =	stileid.u32;
	_ =	swait.ge [sflag:s2], $0x2000  }
0x6c: {  	s0 =	sshrl.u32 s4, $0x3;
	s7 =	sshll.u32 s12, $0x6;
	[sflag:s2] =	ssyncset.done $0x0  }
0x6d: {  	s4 =	rddreg [dreg:$0xb];
	[sflag:s2] =	ssyncadd.s32 $0xFFFFE000;
	s2 =	sor.u32 $0x1C09, s7  }
0x6e: {  	[hbm:s4], [sflag:s2] =	dma.local [spmem:s0], $0x400  }
0x6f: {  	v2 =	vld.msk [tilespmem:$0x20], $0xff;
	_ =	sdelay $0x4  }
0x70: {  	v3 =	vshll.u32 v2, $0x3  }
0x71: {  	v2 =	vand.u32 $0x7, v2;
	v3 =	vand.u32 $0xFFFFFFC0, v3  }
0x72: {  	v2 =	vor.u32 v2, v3  }
0x73: {  	v2 =	vperm.xlane v2, v0;
	_ =	sdelay $0x1  }
0x74: {  	v2 =	vadd.s32 v1, v2;
	_ =	sdelay $0x4  }
0x75: {  	[tilespmem:s14], [sflag:$0x1] =	stream.indirect_vreg.gather [hbm4b:s1+s3], $0x80, v2, vm0, $0xb8;
	[tilespmem:$0x10680] =	vst v63  }
0x76: {  	_ = 	snop  }
0x77: {  	[tilespmem:s13], [sflag:$0x1] =	stream.indirect_vreg.gather [hbm4b:s5+s3], $0x80, v2, vm0, $0xb8;
	[tilespmem:$0x10680] =	vst v63  }
0x78: {  	_ = 	snop  }
0x79: {  	[tilespmem:s15], [sflag:$0x1] =	stream.indirect_vreg.gather [hbm4b:s6+s3], $0x80, v2, vm0, $0xb8;
	[tilespmem:$0x10680] =	vst v63  }
0x7a: {  	_ = 	snop  }
0x7b: {  	[tilespmem:s16], [sflag:$0x1] =	stream.indirect_vreg.gather [hbm4b:s8+s3], $0x80, v2, vm0, $0xb8;
	[tilespmem:$0x10680] =	vst v63  }
0x7c: {  	_ =	swait.ge [sflag:s21], $0x2000  }
0x7d: {  	s4 =	sor.u32 $0x1C0A, s7;
	[sflag:s21] =	ssyncset.done $0x0  }
0x7e: {  	s14 =	sshrl.u32 s9, $0x3;
	s16 =	rddreg [dreg:$0xc];
	[sflag:s21] =	ssyncadd.s32 $0xFFFFE000  }
0x7f: {  	[hbm:s16], [sflag:s4] =	dma.local [spmem:s14], $0x400  }
0x80: {  	v2 =	vld.msk [tilespmem:$0x28], $0xff;
	_ =	sdelay $0x4  }
0x81: {  	v3 =	vshll.u32 v2, $0x3  }
0x82: {  	v2 =	vand.u32 $0x7, v2;
	v3 =	vand.u32 $0xFFFFFFC0, v3  }
0x83: {  	v2 =	vor.u32 v2, v3  }
0x84: {  	v2 =	vperm.xlane v2, v0;
	_ =	sdelay $0x1  }
0x85: {  	v2 =	vadd.s32 v1, v2;
	_ =	sdelay $0x4  }
0x86: {  	[tilespmem:s22], [sflag:$0x2] =	stream.indirect_vreg.gather [hbm4b:s1+s3], $0x80, v2, vm0, $0xb8;
	[tilespmem:$0x10680] =	vst v63  }
0x87: {  	_ = 	snop  }
0x88: {  	[tilespmem:s18], [sflag:$0x2] =	stream.indirect_vreg.gather [hbm4b:s5+s3], $0x80, v2, vm0, $0xb8;
	[tilespmem:$0x10680] =	vst v63  }
0x89: {  	_ = 	snop  }
0x8a: {  	[tilespmem:s17], [sflag:$0x2] =	stream.indirect_vreg.gather [hbm4b:s6+s3], $0x80, v2, vm0, $0xb8;
	[tilespmem:$0x10680] =	vst v63  }
0x8b: {  	_ = 	snop  }
0x8c: {  	[tilespmem:s26], [sflag:$0x2] =	stream.indirect_vreg.gather [hbm4b:s8+s3], $0x80, v2, vm0, $0xb8;
	[tilespmem:$0x10680] =	vst v63  }
0x8d: {  	_ =	swait.ge [sflag:s23], $0x2000  }
0x8e: {  	s15 =	sor.u32 $0x1C0B, s7;
	[sflag:s23] =	ssyncset.done $0x0  }
0x8f: {  	s16 =	sshrl.u32 s10, $0x3;
	s17 =	rddreg [dreg:$0xd];
	[sflag:s23] =	ssyncadd.s32 $0xFFFFE000  }
0x90: {  	[hbm:s17], [sflag:s15] =	dma.local [spmem:s16], $0x400  }
0x91: {  	v2 =	vld.msk [tilespmem:$0x30], $0xff;
	_ =	sdelay $0x4  }
0x92: {  	v3 =	vshll.u32 v2, $0x3  }
0x93: {  	v2 =	vand.u32 $0x7, v2;
	v3 =	vand.u32 $0xFFFFFFC0, v3  }
0x94: {  	v2 =	vor.u32 v2, v3  }
0x95: {  	v2 =	vperm.xlane v2, v0;
	_ =	sdelay $0x1  }
0x96: {  	v2 =	vadd.s32 v1, v2;
	_ =	sdelay $0x4  }
0x97: {  	[tilespmem:s31], [sflag:$0x3] =	stream.indirect_vreg.gather [hbm4b:s1+s3], $0x80, v2, vm0, $0xb8;
	[tilespmem:$0x10680] =	vst v63  }
0x98: {  	_ = 	snop  }
0x99: {  	[tilespmem:s19], [sflag:$0x3] =	stream.indirect_vreg.gather [hbm4b:s5+s3], $0x80, v2, vm0, $0xb8;
	[tilespmem:$0x10680] =	vst v63  }
0x9a: {  	s12 =	simm.s32 $0x5680  }
0x9b: {  	[tilespmem:s12], [sflag:$0x3] =	stream.indirect_vreg.gather [hbm4b:s6+s3], $0x80, v2, vm0, $0xb8;
	[tilespmem:$0x10680] =	vst v63  }
0x9c: {  	s18 =	simm.s32 $0x5E80  }
0x9d: {  	[tilespmem:s18], [sflag:$0x3] =	stream.indirect_vreg.gather [hbm4b:s8+s3], $0x80, v2, vm0, $0xb8;
	[tilespmem:$0x10680] =	vst v63  }
0x9e: {  	_ =	swait.ge [sflag:s24], $0x2000  }
0x9f: {  	s9 =	sshrl.u32 s11, $0x3;
	[sflag:s24] =	ssyncset.done $0x0  }
0xa0: {  	s7 =	sor.u32 $0x1C0C, s7;
	s19 =	rddreg [dreg:$0xe];
	[sflag:s24] =	ssyncadd.s32 $0xFFFFE000  }
0xa1: {  	[hbm:s19], [sflag:s7] =	dma.local [spmem:s9], $0x400  }
0xa2: {  	v2 =	vld.msk [tilespmem:$0x38], $0xff;
	_ =	sdelay $0x4  }
0xa3: {  	v3 =	vshll.u32 v2, $0x3  }
0xa4: {  	v2 =	vand.u32 $0x7, v2;
	v3 =	vand.u32 $0xFFFFFFC0, v3  }
0xa5: {  	v2 =	vor.u32 v2, v3  }
0xa6: {  	v2 =	vperm.xlane v2, v0;
	_ =	sdelay $0x1  }
0xa7: {  	v2 =	vadd.s32 v1, v2;
	_ =	sdelay $0x3  }
0xa8: {  	s22 =	simm.s32 $0x6680  }
0xa9: {  	[tilespmem:s22], [sflag:$0x4] =	stream.indirect_vreg.gather [hbm4b:s1+s3], $0x80, v2, vm0, $0xb8;
	[tilespmem:$0x10680] =	vst v63  }
0xaa: {  	_ = 	snop  }
0xab: {  	[tilespmem:s20], [sflag:$0x4] =	stream.indirect_vreg.gather [hbm4b:s5+s3], $0x80, v2, vm0, $0xb8;
	[tilespmem:$0x10680] =	vst v63  }
0xac: {  	s26 =	simm.s32 $0x7680  }
0xad: {  	[tilespmem:s26], [sflag:$0x4] =	stream.indirect_vreg.gather [hbm4b:s6+s3], $0x80, v2, vm0, $0xb8;
	[tilespmem:$0x10680] =	vst v63  }
0xae: {  	s11 =	simm.s32 $0x0;
	s10 =	simm.s32 $0x58;
	s31 =	simm.s32 $0x7E80  }
0xaf: {  	[tilespmem:s31], [sflag:$0x4] =	stream.indirect_vreg.gather [hbm4b:s8+s3], $0x80, v2, vm0, $0xb8;
	[tilespmem:$0x10680] =	vst v63  }
.LBB2_2:
0xb0: {  	s13 =	simm.s32 $0x1  }
0xb1: {  	_ =	swait.ge [sflag:s13], $0x2000  }
0xb2: {  	[sflag:s13] =	ssyncset.done $0x0  }
0xb3: {  	[sflag:s13] =	ssyncadd.s32 $0xFFFFE000  }
0xb4: {  	_ =	swait.ge [sflag:s25], $0x400  }
0xb5: {  	s17 =	simm.s32 $0x2;
	[sflag:s25] =	ssyncset.done $0x0  }
0xb6: {  	s13 =	simm.s32 $0x680;
	s22 =	rddreg [dreg:$0x7];
	[sflag:s25] =	ssyncadd.s32 $0xFFFFFC00  }
0xb7: {  	[spmem:s22] =	stream.linear.scatter [tilespmem:s13], [sflag:$0x5], $0x2000, $0x38;
	[tilespmem:$0x10680] =	vst v63  }
0xb8: {  	_ =	swait.ge [sflag:s17], $0x2000  }
0xb9: {  	[sflag:s17] =	ssyncset.done $0x0  }
0xba: {  	[sflag:s17] =	ssyncadd.s32 $0xFFFFE000  }
0xbb: {  	_ =	swait.ge [sflag:s28], $0x400  }
0xbc: {  	s18 =	simm.s32 $0x2680;
	[sflag:s28] =	ssyncset.done $0x0  }
0xbd: {  	s22 =	simm.s32 $0x3;
	s20 =	rddreg [dreg:$0x8];
	[sflag:s28] =	ssyncadd.s32 $0xFFFFFC00  }
0xbe: {  	[spmem:s20] =	stream.linear.scatter [tilespmem:s18], [sflag:$0x6], $0x2000, $0x38;
	[tilespmem:$0x10680] =	vst v63  }
0xbf: {  	_ =	swait.ge [sflag:s22], $0x2000  }
0xc0: {  	[sflag:s22] =	ssyncset.done $0x0  }
0xc1: {  	[sflag:s22] =	ssyncadd.s32 $0xFFFFE000  }
0xc2: {  	_ =	swait.ge [sflag:s29], $0x400  }
0xc3: {  	s19 =	simm.s32 $0x4680;
	[sflag:s29] =	ssyncset.done $0x0  }
0xc4: {  	s12 =	simm.s32 $0x4;
	s26 =	rddreg [dreg:$0x9];
	[sflag:s29] =	ssyncadd.s32 $0xFFFFFC00  }
0xc5: {  	[spmem:s26] =	stream.linear.scatter [tilespmem:s19], [sflag:$0x7], $0x2000, $0x38;
	[tilespmem:$0x10680] =	vst v63  }
0xc6: {  	_ =	swait.ge [sflag:s12], $0x2000  }
0xc7: {  	[sflag:s12] =	ssyncset.done $0x0  }
0xc8: {  	[sflag:s12] =	ssyncadd.s32 $0xFFFFE000  }
0xc9: {  	_ =	swait.ge [sflag:s30], $0x400  }
0xca: {  	s20 =	simm.s32 $0x6680;
	[sflag:s30] =	ssyncset.done $0x0  }
0xcb: {  	s12 =	simm.s32 $0x5;
	s17 =	rddreg [dreg:$0xa];
	[sflag:s30] =	ssyncadd.s32 $0xFFFFFC00  }
0xcc: {  	[spmem:s17] =	stream.linear.scatter [tilespmem:s20], [sflag:$0x8], $0x2000, $0x38;
	[tilespmem:$0x10680] =	vst v63  }
0xcd: {  	_ =	swait.ge [sflag:s12], $0x2000  }
0xce: {  	s26 =	rddreg [dreg:$0x5]  }
0xcf: {  	[sflag:s12] =	ssyncset.done $0x0;
	s22 =	sadd.s32 s11, s26  }
0xd0: {  	[sflag:s12] =	ssyncadd.s32 $0xFFFFE000;
	s26 =	sadd.s32 $0x1000, s22  }
0xd1: {  	[hbm:s26], [sflag:s2] =	dma.local [spmem:s0], $0x400  }
0xd2: {  	v2 =	vld.msk [tilespmem:s10+$0xFFFFFFE8], $0xff;
	_ =	sdelay $0x4  }
0xd3: {  	v3 =	vshll.u32 v2, $0x3  }
0xd4: {  	v2 =	vand.u32 $0x7, v2;
	v3 =	vand.u32 $0xFFFFFFC0, v3  }
0xd5: {  	v2 =	vor.u32 v2, v3  }
0xd6: {  	v2 =	vperm.xlane v2, v0;
	_ =	sdelay $0x1  }
0xd7: {  	v2 =	vadd.s32 v1, v2;
	_ =	sdelay $0x4  }
0xd8: {  	[tilespmem:s13], [sflag:$0x1] =	stream.indirect_vreg.gather [hbm4b:s1+s3], $0x80, v2, vm0, $0xb8;
	[tilespmem:$0x10680] =	vst v63  }
0xd9: {  	s13 =	simm.s32 $0xE80  }
0xda: {  	[tilespmem:s13], [sflag:$0x1] =	stream.indirect_vreg.gather [hbm4b:s5+s3], $0x80, v2, vm0, $0xb8;
	[tilespmem:$0x10680] =	vst v63  }
0xdb: {  	s17 =	simm.s32 $0x1680  }
0xdc: {  	[tilespmem:s17], [sflag:$0x1] =	stream.indirect_vreg.gather [hbm4b:s6+s3], $0x80, v2, vm0, $0xb8;
	[tilespmem:$0x10680] =	vst v63  }
0xdd: {  	s26 =	simm.s32 $0x1E80  }
0xde: {  	[tilespmem:s26], [sflag:$0x1] =	stream.indirect_vreg.gather [hbm4b:s8+s3], $0x80, v2, vm0, $0xb8;
	[tilespmem:$0x10680] =	vst v63  }
0xdf: {  	_ =	swait.ge [sflag:s21], $0x2000  }
0xe0: {  	[sflag:s21] =	ssyncset.done $0x0  }
0xe1: {  	s17 =	sadd.s32 $0x1400, s22;
	[sflag:s21] =	ssyncadd.s32 $0xFFFFE000  }
0xe2: {  	[hbm:s17], [sflag:s4] =	dma.local [spmem:s14], $0x400  }
0xe3: {  	v2 =	vld.msk [tilespmem:s10+$0xFFFFFFF0], $0xff;
	_ =	sdelay $0x4  }
0xe4: {  	v3 =	vshll.u32 v2, $0x3  }
0xe5: {  	v2 =	vand.u32 $0x7, v2;
	v3 =	vand.u32 $0xFFFFFFC0, v3  }
0xe6: {  	v2 =	vor.u32 v2, v3  }
0xe7: {  	v2 =	vperm.xlane v2, v0;
	_ =	sdelay $0x1  }
0xe8: {  	v2 =	vadd.s32 v1, v2;
	_ =	sdelay $0x4  }
0xe9: {  	[tilespmem:s18], [sflag:$0x2] =	stream.indirect_vreg.gather [hbm4b:s1+s3], $0x80, v2, vm0, $0xb8;
	[tilespmem:$0x10680] =	vst v63  }
0xea: {  	s18 =	simm.s32 $0x2E80  }
0xeb: {  	[tilespmem:s18], [sflag:$0x2] =	stream.indirect_vreg.gather [hbm4b:s5+s3], $0x80, v2, vm0, $0xb8;
	[tilespmem:$0x10680] =	vst v63  }
0xec: {  	s26 =	simm.s32 $0x3680  }
0xed: {  	[tilespmem:s26], [sflag:$0x2] =	stream.indirect_vreg.gather [hbm4b:s6+s3], $0x80, v2, vm0, $0xb8;
	[tilespmem:$0x10680] =	vst v63  }
0xee: {  	s26 =	simm.s32 $0x3E80  }
0xef: {  	[tilespmem:s26], [sflag:$0x2] =	stream.indirect_vreg.gather [hbm4b:s8+s3], $0x80, v2, vm0, $0xb8;
	[tilespmem:$0x10680] =	vst v63  }
0xf0: {  	_ =	swait.ge [sflag:s23], $0x2000  }
0xf1: {  	[sflag:s23] =	ssyncset.done $0x0  }
0xf2: {  	s12 =	sadd.s32 $0x1800, s22;
	[sflag:s23] =	ssyncadd.s32 $0xFFFFE000  }
0xf3: {  	[hbm:s12], [sflag:s15] =	dma.local [spmem:s16], $0x400  }
0xf4: {  	v2 =	vld.msk [tilespmem:s10+$0xFFFFFFF8], $0xff;
	_ =	sdelay $0x4  }
0xf5: {  	v3 =	vshll.u32 v2, $0x3  }
0xf6: {  	v2 =	vand.u32 $0x7, v2;
	v3 =	vand.u32 $0xFFFFFFC0, v3  }
0xf7: {  	v2 =	vor.u32 v2, v3  }
0xf8: {  	v2 =	vperm.xlane v2, v0;
	_ =	sdelay $0x1  }
0xf9: {  	v2 =	vadd.s32 v1, v2;
	_ =	sdelay $0x4  }
0xfa: {  	[tilespmem:s19], [sflag:$0x3] =	stream.indirect_vreg.gather [hbm4b:s1+s3], $0x80, v2, vm0, $0xb8;
	[tilespmem:$0x10680] =	vst v63  }
0xfb: {  	s19 =	simm.s32 $0x4E80  }
0xfc: {  	[tilespmem:s19], [sflag:$0x3] =	stream.indirect_vreg.gather [hbm4b:s5+s3], $0x80, v2, vm0, $0xb8;
	[tilespmem:$0x10680] =	vst v63  }
0xfd: {  	s12 =	simm.s32 $0x5680  }
0xfe: {  	[tilespmem:s12], [sflag:$0x3] =	stream.indirect_vreg.gather [hbm4b:s6+s3], $0x80, v2, vm0, $0xb8;
	[tilespmem:$0x10680] =	vst v63  }
0xff: {  	s12 =	simm.s32 $0x5E80  }
0x100: {  	[tilespmem:s12], [sflag:$0x3] =	stream.indirect_vreg.gather [hbm4b:s8+s3], $0x80, v2, vm0, $0xb8;
	[tilespmem:$0x10680] =	vst v63  }
0x101: {  	_ =	swait.ge [sflag:s24], $0x2000  }
0x102: {  	[sflag:s24] =	ssyncset.done $0x0  }
0x103: {  	s22 =	sadd.s32 $0x1C00, s22;
	[sflag:s24] =	ssyncadd.s32 $0xFFFFE000  }
0x104: {  	[hbm:s22], [sflag:s7] =	dma.local [spmem:s9], $0x400  }
0x105: {  	v2 =	vld.msk [tilespmem:s10+$0x0], $0xff;
	_ =	sdelay $0x4  }
0x106: {  	v3 =	vshll.u32 v2, $0x3  }
0x107: {  	v2 =	vand.u32 $0x7, v2;
	v3 =	vand.u32 $0xFFFFFFC0, v3  }
0x108: {  	v2 =	vor.u32 v2, v3  }
0x109: {  	v2 =	vperm.xlane v2, v0;
	_ =	sdelay $0x1  }
0x10a: {  	v2 =	vadd.s32 v1, v2;
	_ =	sdelay $0x4  }
0x10b: {  	[tilespmem:s20], [sflag:$0x4] =	stream.indirect_vreg.gather [hbm4b:s1+s3], $0x80, v2, vm0, $0xb8;
	[tilespmem:$0x10680] =	vst v63  }
0x10c: {  	p0 =	sne.s32 s11, $0x2F000;
	s20 =	simm.s32 $0x6E80  }
0x10d: {  	[tilespmem:s20], [sflag:$0x4] =	stream.indirect_vreg.gather [hbm4b:s5+s3], $0x80, v2, vm0, $0xb8;
	[tilespmem:$0x10680] =	vst v63  }
.Ltmp0:
0x10e: {  	s31 =	simm.s32 $0x680;
	s11 =	sadd.s32 $0x1000, s11;
	(pc) =	sbr.rel @p0 .LBB2_2-.Ltmp0, $4  }
0x10f: {  	s17 =	simm.s32 $0x2680;
	s26 =	simm.s32 $0x4680;
	s12 =	simm.s32 $0x7680  }
0x110: {  	[tilespmem:s12], [sflag:$0x4] =	stream.indirect_vreg.gather [hbm4b:s6+s3], $0x80, v2, vm0, $0xb8;
	[tilespmem:$0x10680] =	vst v63  }
0x111: {  	s22 =	simm.s32 $0x6680;
	s10 =	sadd.s32 $0x20, s10;
	s12 =	simm.s32 $0x7E80  }
0x112: {  	[tilespmem:s12], [sflag:$0x4] =	stream.indirect_vreg.gather [hbm4b:s8+s3], $0x80, v2, vm0, $0xb8;
	[tilespmem:$0x10680] =	vst v63  }
0x113: {  	s10 =	simm.s32 $0x1  }
0x114: {  	_ =	swait.ge [sflag:s10], $0x2000  }
0x115: {  	[sflag:s10] =	ssyncset.done $0x0  }
0x116: {  	[sflag:s10] =	ssyncadd.s32 $0xFFFFE000  }
0x117: {  	_ =	swait.ge [sflag:s25], $0x400  }
0x118: {  	[sflag:s25] =	ssyncset.done $0x0  }
0x119: {  	s12 =	simm.s32 $0x2;
	s11 =	rddreg [dreg:$0x7];
	[sflag:s25] =	ssyncadd.s32 $0xFFFFFC00  }
0x11a: {  	[spmem:s11] =	stream.linear.scatter [tilespmem:s31], [sflag:$0x5], $0x2000, $0x38;
	[tilespmem:$0x10680] =	vst v63  }
0x11b: {  	_ =	swait.ge [sflag:s12], $0x2000  }
0x11c: {  	[sflag:s12] =	ssyncset.done $0x0  }
0x11d: {  	[sflag:s12] =	ssyncadd.s32 $0xFFFFE000  }
0x11e: {  	_ =	swait.ge [sflag:s28], $0x400  }
0x11f: {  	[sflag:s28] =	ssyncset.done $0x0  }
0x120: {  	s11 =	simm.s32 $0x3;
	s31 =	rddreg [dreg:$0x8];
	[sflag:s28] =	ssyncadd.s32 $0xFFFFFC00  }
0x121: {  	[spmem:s31] =	stream.linear.scatter [tilespmem:s17], [sflag:$0x6], $0x2000, $0x38;
	[tilespmem:$0x10680] =	vst v63  }
0x122: {  	_ =	swait.ge [sflag:s11], $0x2000  }
0x123: {  	[sflag:s11] =	ssyncset.done $0x0  }
0x124: {  	[sflag:s11] =	ssyncadd.s32 $0xFFFFE000  }
0x125: {  	_ =	swait.ge [sflag:s29], $0x400  }
0x126: {  	[sflag:s29] =	ssyncset.done $0x0  }
0x127: {  	s17 =	simm.s32 $0x4;
	s12 =	rddreg [dreg:$0x9];
	[sflag:s29] =	ssyncadd.s32 $0xFFFFFC00  }
0x128: {  	[spmem:s12] =	stream.linear.scatter [tilespmem:s26], [sflag:$0x7], $0x2000, $0x38;
	[tilespmem:$0x10680] =	vst v63  }
0x129: {  	_ =	swait.ge [sflag:s17], $0x2000  }
0x12a: {  	[sflag:s17] =	ssyncset.done $0x0  }
0x12b: {  	[sflag:s17] =	ssyncadd.s32 $0xFFFFE000  }
0x12c: {  	_ =	swait.ge [sflag:s30], $0x400  }
0x12d: {  	[sflag:s30] =	ssyncset.done $0x0  }
0x12e: {  	s31 =	simm.s32 $0x5;
	s26 =	rddreg [dreg:$0xa];
	[sflag:s30] =	ssyncadd.s32 $0xFFFFFC00  }
0x12f: {  	[spmem:s26] =	stream.linear.scatter [tilespmem:s22], [sflag:$0x8], $0x2000, $0x38;
	[tilespmem:$0x10680] =	vst v63  }
0x130: {  	_ =	swait.ge [sflag:s31], $0x2000  }
0x131: {  	[sflag:s31] =	ssyncset.done $0x0  }
0x132: {  	s11 =	rddreg [dreg:$0xf];
	[sflag:s31] =	ssyncadd.s32 $0xFFFFE000  }
0x133: {  	[hbm:s11], [sflag:s2] =	dma.local [spmem:s0], $0x400  }
0x134: {  	_ =	swait.ge [sflag:s21], $0x2000  }
0x135: {  	[sflag:s21] =	ssyncset.done $0x0  }
0x136: {  	s12 =	rddreg [dreg:$0x10];
	[sflag:s21] =	ssyncadd.s32 $0xFFFFE000  }
0x137: {  	[hbm:s12], [sflag:s4] =	dma.local [spmem:s14], $0x400  }
0x138: {  	_ =	swait.ge [sflag:s23], $0x2000  }
0x139: {  	[sflag:s23] =	ssyncset.done $0x0  }
0x13a: {  	s17 =	rddreg [dreg:$0x11];
	[sflag:s23] =	ssyncadd.s32 $0xFFFFE000  }
0x13b: {  	[hbm:s17], [sflag:s15] =	dma.local [spmem:s16], $0x400  }
0x13c: {  	_ =	swait.ge [sflag:s24], $0x2000  }
0x13d: {  	[sflag:s24] =	ssyncset.done $0x0  }
0x13e: {  	s22 =	rddreg [dreg:$0x12];
	[sflag:s24] =	ssyncadd.s32 $0xFFFFE000  }
0x13f: {  	[hbm:s22], [sflag:s7] =	dma.local [spmem:s9], $0x400  }
0x140: {  	_ =	swait.ge [sflag:s25], $0x400  }
0x141: {  	[sflag:s25] =	ssyncset.done $0x0  }
0x142: {  	[sflag:s25] =	ssyncadd.s32 $0xFFFFFC00  }
0x143: {  	_ =	swait.ge [sflag:s28], $0x400  }
0x144: {  	[sflag:s28] =	ssyncset.done $0x0  }
0x145: {  	[sflag:s28] =	ssyncadd.s32 $0xFFFFFC00  }
0x146: {  	_ =	swait.ge [sflag:s29], $0x400  }
0x147: {  	[sflag:s29] =	ssyncset.done $0x0  }
0x148: {  	[sflag:s29] =	ssyncadd.s32 $0xFFFFFC00  }
0x149: {  	_ =	swait.ge [sflag:s30], $0x400  }
0x14a: {  	s26 =	rddreg [dreg:$0x14]  }
0x14b: {  	s31 =	rddreg [dreg:$0x13];
	s10 =	sadd.s32 $0x1, s26  }
0x14c: {  	p0 =	sne.s32 s10, s31  }
.Ltmp1:
0x14d: {  	_ = 	snop;
	(pc) =	sbr.rel @p0 .LBB2_1-.Ltmp1, $4  }
0x14e: {  	s2 =	simm.s32 $0x5680  }
0x14f: {  	s4 =	simm.s32 $0x5E80;
	s15 =	simm.s32 $0x1680;
	s16 =	simm.s32 $0x1E80  }
0x150: {  	s17 =	simm.s32 $0x3680;
	s7 =	simm.s32 $0x7680;
	[sflag:s30] =	ssyncset.done $0x0  }
0x151: {  	s9 =	simm.s32 $0x7E80;
	[sflag:s30] =	ssyncadd.s32 $0xFFFFFC00;
	s26 =	simm.s32 $0x3E80  }
0x152: {  	_ =	sfence.sel $0x180000  }
0x153: {  	[bflag:$0x0] =	sbarrier.arrive $0xFFFF  }
0x154: {  	_ =	strace $0x90000047  }
0x155: {  	s0 =	stileid.u32;
	[bflag:$0x2] =	sbarrier.arrive $0xFFFF  }
0x156: {  	p0 =	sne.s32 s0, $0x0;
	s0 =	rddreg [dreg:$0x4]  }
0x157: {  	s0 =	sadd.s32 @!p0 $0x100000, s0  }
0x158: {  	[sflag:s0] =	ssyncadd.tile.s32 @!p0 $0x1;
	_ =	shalt  }
.Lfunc_end2:
_tile_overlayer_lowered:
.L_overlay_start_2:
0x159: {  	(tag) =	ssettag $0x2  }
0x15a: {  	s0 =	rddreg [dreg:$0x0];
	s2 =	stileid.u32  }
0x15b: {  	s1 =	rddreg [dreg:$0x1];
	p0 =	sne.s32 s2, $0x0  }
0x15c: {  	s3 =	rddreg [dreg:$0x2];
	[bflag:$0x3] =	sbarrier.arrive $0xFFFF;
	s2 =	simm.s32 @!p0 $0x1C0D  }
0x15d: {  	[timem:s3], [sflag:s2] =	dma.local @!p0 [hbm:s0], s1  }
0x15e: {  	s0 =	simm.s32 @!p0 $0xD  }
0x15f: {  	_ =	swait.ge @!p0 [sflag:s0], s1  }
0x160: {  	s1 =	ssub.s32 @!p0 $0x0, s1;
	[sflag:s0] =	ssyncset.done @!p0 $0x0  }
0x161: {  	[sflag:s0] =	ssyncadd.s32 @!p0 s1  }
0x162: {  	[bflag:$0x3] =	sbarrier.arrive $0xFFFF  }
0x163: {  	_ =	shalt  }

// kernel: sparse-core-data-format-call.cloned.1.call-start
scs
called_computation_lowered:
.L_overlay_start_0:
0x0: {  	s2 =	sld [smem:$0x3FD9]  }
0x1: {  	s3 =	sld [smem:$0x3FFE];
	_ =	sdelay $0x1  }
0x2: {  	s1 =	srdreg.scid  }
0x3: {  	s0 =	sand.u32 $0x1, s1  }
0x4: {  	s18 =	sshll.u32 s0, $0xA;
	s2 =	sadd.s32 s3, s2  }
0x5: {  	s2 =	sadd.s32 s2, s18  }
0x6: {  	[smem:$0x3FC6] =	sst s2  }
0x7: {  	_ = 	snop  }
0x8: {  	s2 =	sld [smem:$0x3FD0];
	(tm) =	ssettm $0x1  }
0x9: {  	s19 =	sld [smem:$0x3FFB];
	_ =	sdelay $0x3  }
0xa: {  	_ =	strace s19  }
0xb: {  	s3 =	sld [smem:$0x3FFC];
	_ =	sdelay $0x3  }
0xc: {  	_ =	strace s3  }
0xd: {  	s3 =	sld [smem:$0x3FFD];
	_ =	sdelay $0x3  }
0xe: {  	_ =	strace s3  }
0xf: {  	_ =	strace $0x8FFFFFFF  }
0x10: {  	s20 =	sld [smem:$0x3FDB];
	_ =	sdelay $0x1  }
0x11: {  	s4 =	simm.s32 $_scs_section_size  }
0x12: {  	s5 =	simm.s32 $_size__tile_overlayer_lowered;
	s6 =	simm.s32 $_tile_overlayer_lowered  }
0x13: {  	s23 =	simm.s32 $0x1BFF;
	s22 =	sshll.u32 s6, $0x1;
	s3 =	sadd.s32 s4, s20  }
0x14: {  	s7 =	simm.s32 $0x0;
	s21 =	sshll.u32 s5, $0x1;
	s5 =	sadd.s32 s22, s3  }
0x15: {  	[timem:s7], [sflag:s23] =	dma.local [hbm:s5], s21  }
0x16: {  	_ =	swait.ge [sflag:s23], s21  }
0x17: {  	s4 =	ssub.s32 $0x0, s21;
	[sflag:s23] =	ssyncset.done $0x0  }
0x18: {  	[sflag:s23] =	ssyncadd.s32 s4;
	_ =	sdelay $0x1  }
0x19: {  	s24 =	simm.s32 $0x1B8B  }
0x1a: {  	_ =	swait.ge [sflag:s24], $0x1  }
0x1b: {  	[sflag:s24] =	ssyncset.done $0x0  }
0x1c: {  	s26 =	simm.s32 $0x1B8E;
	s25 =	sld [smem:$0x3FFE];
	[sflag:s24] =	ssyncadd.s32 $0xFFFFFFFF  }
0x1d: {  	s27 =	simm.s32 $execute0_lowered;
	[smem:$0x3FD2] =	sst s26  }
0x1e: {  	s5 =	sshll.u32 s27, $0x1;
	_ =	strace $0x80000049;
	[dreg:$0x1] =	wrdreg $0xFFFFFFFF  }
0x1f: {  	s28 =	simm.s32 $_size_execute0_lowered;
	s3 =	sadd.s32 s3, s5;
	[dreg:$0x0] =	wrdreg $0x0  }
0x20: {  	s5 =	sshll.u32 s28, $0x1;
	[dreg:$0x2] =	wrdreg s3  }
0x21: {  	[dreg:$0x3] =	wrdreg s5  }
0x22: {  	[dreg:$0x4] =	wrdreg $0xC0  }
0x23: {  	_ =	task [dreg:s7], $0x5FFFF  }
0x24: {  	[dreg:$0x1] =	wrdreg $0xFFFFFFFF  }
0x25: {  	[dreg:$0x0] =	wrdreg $0x60  }
0x26: {  	[dreg:$0x2] =	wrdreg s25  }
0x27: {  	[dreg:$0x3] =	wrdreg s2  }
0x28: {  	[dreg:$0x4] =	wrdreg $0x9  }
0x29: {  	_ =	task.clear_ibuf [dreg:s7], $0x5FFFF;
	_ =	strace $0x90000049  }
0x2a: {  	s29 =	simm.s32 $0x9;
	_ =	strace $0x8000004B  }
0x2b: {  	_ =	swait.ge [sflag:s29], $0x1  }
0x2c: {  	[sflag:s29] =	ssyncadd.s32 $0xFFFFFFFF  }
0x2d: {  	_ =	strace $0x9000004B  }
0x2e: {  	_ =	sfence  }
0x2f: {  	s30 =	sld [smem:$0x0];
	_ =	sdelay $0x2  }
0x30: {  	s31 =	sshll.u32 s1, $0xD;
	s1 =	sshrl.u32 s1, $0x2  }
0x31: {  	s3 =	sand.u32 $0x4000, s31;
	s1 =	sadd.s32 s1, s30  }
0x32: {  	s0 =	sor.u32 s3, s0;
	s1 =	sshll.u32 s1, $0x11  }
0x33: {  	s0 =	sor.u32 s1, s0  }
0x34: {  	s0 =	sadd.s32 $0x8F2B, s0  }
0x35: {  	[sflag:s0] =	ssyncadd.remote.s32 $0x1  }
0x36: {  	_ =	sfence.sel $0xFFFF  }
0x37: {  	[dreg:$0x0] =	wrdreg $0xFFFFFFFF;
	(pc) =	sbr.abs _section_cstart, $3  }
0x38: {  	[dreg:$0x1] =	wrdreg $0xFFFFFFFF  }
0x39: {  	_ =	task.clear_ibuf [dreg:s7], $0x2FFFF;
	_ =	strace $0x9FFFFFFF  }
0x3a: {  	(tm) =	ssettm $0x7FFFFFFF  }
0x3b: {  	_ =	shalt  }
tec
execute0_lowered:
.L_overlay_start_1:
0x0: {  	(tag) =	ssettag $0x1  }
0x1: {  	s0 =	stileid.u32;
	s1 =	srdreg.scid  }
0x2: {  	s2 =	sshll.u32 s0, $0x7;
	s3 =	sshll.u32 s0, $0x4;
	s4 =	sshll.u32 s1, $0x8  }
0x3: {  	s7 =	rddreg [dreg:$0x0];
	s1 =	sand.u32 $0x380, s2;
	s29 =	sor.u32 s3, s4  }
0x4: {  	s8 =	simm.s32 $0x2;
	s2 =	sand.u32 $0x180, s29;
	s30 =	ssub.s32 $0x400, s1  }
0x5: {  	s15 =	simm.s32 $0x0;
	s31 =	sand.u32 $0x380, s30;
	s5 =	ssub.s32 $0x400, s2  }
0x6: {  	s4 =	simm.s32 $0x1;
	p0 =	sne.s32 s31, $0x0;
	s6 =	sand.u32 $0x180, s5  }
0x7: {  	s4 =	simm.s32 @!p0 $0x0;
	p0 =	sne.s32 s6, $0x0;
	s6 =	simm.s32 $0x1  }
0x8: {  	s3 =	sshrl.u32 s30, $0xA;
	s5 =	sshrl.u32 s5, $0x9;
	s6 =	simm.s32 @!p0 $0x0  }
0x9: {  	s9 =	simm.s32 $0x2000;
	s3 =	sadd.s32 s4, s3;
	s5 =	sadd.s32 s6, s5  }
0xa: {  	s10 =	simm.s32 $0x0;
	s16 =	simm.s32 $0x0;
	s6 =	smul.u32 s5, s3  }
.Ltmp0:
0xb: {  	s17 =	simm.s32 $0x0;
	s4 =	rddreg [dreg:$0x1];
	(pc) =	sbr.rel .LBB1_1-.Ltmp0, $4  }
0xc: {  	s12 =	simm.s32 $0x0;
	s14 =	simm.s32 $0x0;
	s3 =	rddreg [dreg:$0x2]  }
0xd: {  	_ =	strace $0x8000004A;
	s5 =	simm.s32 $0x1;
	s6 =	smul.u32 $0x32, s6  }
0xe: {  	s7 =	sadd.s32 $0x800, s7;
	s13 =	smov.u32 s1;
	[sflag:s5] =	ssyncpa.u1 $0x0  }
0xf: {  	s11 =	smov.u32 s2;
	[sflag:s8] =	ssyncpa.u1 $0x0;
	s8 =	sor.u32 $0x1, s6  }
.LBB1_4:
0x10: {  	_ =	sdelay $0x3  }
0x11: {  	[tilespmem:v0+s20+$0xFFFFFFD0 ss:$0x1] =	vst.idx.msk $0xffff, v6  }
0x12: {  	v56 =	vld.idx.msk [tilespmem:v1+s19+$0x0 ss:$0x1], $0xffff;
	[tilespmem:v0+s20+$0xFFFFFFE0 ss:$0x1] =	vst.idx.msk $0xffff, v4  }
0x13: {  	v57 =	vld.idx.msk [tilespmem:v1+s19+$0xFFFFFF90 ss:$0x1], $0xffff;
	[tilespmem:v0+s20+$0xFFFFFFF0 ss:$0x1] =	vst.idx.msk $0xffff, v2  }
0x14: {  	v58 =	vld.idx.msk [tilespmem:v1+s19+$0xFFFFFFA0 ss:$0x1], $0xffff;
	[tilespmem:v0+s20+$0x0 ss:$0x1] =	vst.idx.msk $0xffff, v3  }
0x15: {  	v59 =	vld.idx.msk [tilespmem:v1+s19+$0xFFFFFFB0 ss:$0x1], $0xffff;
	[tilespmem:v0+s20+$0x10 ss:$0x1] =	vst.idx.msk $0xffff, v5  }
0x16: {  	v60 =	vld.idx.msk [tilespmem:v1+s19+$0xFFFFFFC0 ss:$0x1], $0xffff;
	[tilespmem:v0+s20+$0x20 ss:$0x1] =	vst.idx.msk $0xffff, v7  }
0x17: {  	v61 =	vld.idx.msk [tilespmem:v1+s19+$0xFFFFFFD0 ss:$0x1], $0xffff;
	[tilespmem:v0+s19+$0x30 ss:$0x1] =	vst.idx.msk $0xffff, v56  }
0x18: {  	v62 =	vld.idx.msk [tilespmem:v1+s19+$0xFFFFFFE0 ss:$0x1], $0xffff;
	[tilespmem:v0+s19+$0xFFFFFFC0 ss:$0x1] =	vst.idx.msk $0xffff, v57  }
0x19: {  	v63 =	vld.idx.msk [tilespmem:v1+s19+$0xFFFFFFF0 ss:$0x1], $0xffff;
	s17 =	sshll.u32 s17, $0x7;
	[tilespmem:v0+s19+$0xFFFFFFD0 ss:$0x1] =	vst.idx.msk $0xffff, v58  }
0x1a: {  	s30 =	sand.u32 $0x78, s15;
	s16 =	sshll.u32 s16, $0x11;
	s21 =	sand.u32 $0x380, s17;
	[tilespmem:v0+s19+$0xFFFFFFE0 ss:$0x1] =	vst.idx.msk $0xffff, v59  }
0x1b: {  	s31 =	sand.u32 $0x7, s15;
	s17 =	sand.u32 $0x1FC00, s17;
	s20 =	sor.u32 s21, s30;
	[tilespmem:v0+s19+$0xFFFFFFF0 ss:$0x1] =	vst.idx.msk $0xffff, v60  }
0x1c: {  	s16 =	sadd.s32 s4, s16;
	s17 =	sadd.s32 s15, s17;
	s20 =	sshrl.u32 s20, $0x3;
	[tilespmem:v0+s19+$0x0 ss:$0x1] =	vst.idx.msk $0xffff, v61  }
0x1d: {  	s15 =	sshll.u32 s31, $0x12;
	s17 =	sand.u32 $0x1FF80, s17;
	s16 =	sadd.s32 s20, s16;
	[tilespmem:v0+s19+$0x10 ss:$0x1] =	vst.idx.msk $0xffff, v62  }
0x1e: {  	s15 =	sor.u32 $0x400, s15;
	[tilespmem:v0+s19+$0x20 ss:$0x1] =	vst.idx.msk $0xffff, v63;
	s16 =	sadd.s32 s17, s16  }
0x1f: {  	[hbm4b:s16+s15] =	stream.strided.scatter [tilespmem:s18], [sflag:$0x2], $0x4000, s9, s15, $0x38;
	[tilespmem:$0x10000] =	vst v63  }
.LBB1_5:
0x20: {  	s18 =	sadd.s32 $0x200, s11  }
0x21: {  	s15 =	simm.s32 $0x1;
	p1 =	sgt.s32 s18, $0x3FF  }
0x22: {  	s15 =	simm.s32 @!p1 $0x0  }
0x23: {  	s19 =	sadd.s32 s15, s12  }
0x24: {  	s21 =	smov.u32 s13;
	s15 =	sadd.s32 $0x400, s13;
	p2 =	sgt.s32 s19, $0x31  }
0x25: {  	s21 =	smov.u32 @p2 s15  }
0x26: {  	p0 =	slt.u32 s14, $0x2;
	s18 =	smov.u32 @p1 s2;
	p1 =	sgt.s32 s21, $0x3FF  }
0x27: {  	s20 =	simm.s32 @!p0 $0x2;
	s21 =	smov.u32 @p1 s1;
	p1 =	sne.s32 s14, s8  }
.Ltmp1:
0x28: {  	_ =	swait.ge @!p0 [sflag:s20], $0x4000;
	(pc) =	sbr.rel @!p1 .LBB1_6-.Ltmp1, $4  }
0x29: {  	s16 =	smov.u32 s12;
	[sflag:s20] =	ssyncset.done @!p0 $0x0  }
0x2a: {  	s17 =	smov.u32 s13;
	s10 =	sadd.s32 $0x4000, s10;
	[sflag:s20] =	ssyncadd.s32 @!p0 $0xFFFFC000  }
0x2b: {  	s19 =	simm.s32 @p2 $0x0;
	s15 =	smov.u32 s11;
	s11 =	smov.u32 s18  }
0x2c: {  	s12 =	smov.u32 s19;
	s14 =	sadd.s32 $0x1, s14;
	s13 =	smov.u32 s21  }
.LBB1_1:
0x2d: {  	p0 =	sge.u32 s14, s6  }
0x2e: {  	s18 =	sshll.u32 @!p0 s12, $0xA  }
0x2f: {  	s19 =	sshll.u32 @!p0 s11, $0x3;
	s18 =	sand.u32 @!p0 $0xFFFFE000, s18  }
0x30: {  	s18 =	sadd.s32 @!p0 s18, s19  }
0x31: {  	s18 =	sshrl.u32 @!p0 s18, $0xA  }
0x32: {  	s19 =	smulhi.u32 @!p0 $0x4924925, s18  }
0x33: {  	s20 =	sshll.u32 @!p0 s12, $0x7;
	s22 =	smul.u32 @!p0 $0x1C00, s13  }
0x34: {  	s21 =	sand.u32 @!p0 $0x78, s11;
	s20 =	sand.u32 @!p0 $0x380, s20;
	s19 =	smul.u32 @!p0 $0x38, s19  }
0x35: {  	s31 =	sadd.s32 $0xFFFFFFFF, s14;
	s20 =	sor.u32 @!p0 s21, s20;
	s21 =	sadd.s32 @!p0 s7, s22  }
0x36: {  	s20 =	sshrl.u32 @!p0 s20, $0x3;
	s18 =	ssub.s32 @!p0 s18, s19;
	s19 =	sxor.u32 @!p0 $0xFFFFFFFF, s14  }
0x37: {  	s20 =	sadd.s32 @!p0 s20, s21;
	s21 =	sand.u32 @!p0 $0x7, s11;
	s19 =	sshll.u32 @!p0 s19, $0xE  }
0x38: {  	s21 =	sshll.u32 @!p0 s21, $0x12;
	s18 =	sshll.u32 @!p0 s18, $0x7;
	s19 =	sand.u32 @!p0 $0x4000, s19  }
0x39: {  	s18 =	sadd.s32 @!p0 s18, s20;
	s20 =	sor.u32 @!p0 $0x80, s21;
	s21 =	simm.s32 @!p0 $0xE000  }
0x3a: {  	[tilespmem:s19], [sflag:$0x1] =	stream.strided.gather @!p0 [hbm4b:s18+s20], $0x4000, s21, s20, $0x38;
	[tilespmem:$0x10000] =	vst v63  }
0x3b: {  	p0 =	sge.u32 s31, s6  }
.Ltmp2:
0x3c: {  	_ = 	snop;
	(pc) =	sbr.rel @p0 .LBB1_5-.Ltmp2, $1  }
0x3d: {  	_ =	sdelay $0x3  }
0x3e: {  	s18 =	sand.u32 $0x4000, s10  }
0x3f: {  	s19 =	sor.u32 $0x70, s18  }
0x40: {  	v1 =	vmov s19;
	_ =	sdelay $0x1  }
0x41: {  	_ =	swait.ge [sflag:s5], $0x4000  }
0x42: {  	[sflag:s5] =	ssyncset.done $0x0  }
0x43: {  	s20 =	simm.s32 $0x0;
	[sflag:s5] =	ssyncadd.s32 $0xFFFFC000  }
0x44: {  	s18 =	sor.u32 $0x8040, s18;
	v7 =	vld.idx.msk [tilespmem:v1+s20+$0x0 ss:$0x1], $0xffff  }
0x45: {  	v0 =	vmov s18;
	v8 =	vld.idx.msk [tilespmem:v1+s20+$0xFFFFFF90 ss:$0x1], $0xffff  }
0x46: {  	v6 =	vld.idx.msk [tilespmem:v1+s20+$0xFFFFFFA0 ss:$0x1], $0xffff  }
0x47: {  	v4 =	vld.idx.msk [tilespmem:v1+s20+$0xFFFFFFB0 ss:$0x1], $0xffff  }
0x48: {  	v2 =	vld.idx.msk [tilespmem:v1+s20+$0xFFFFFFC0 ss:$0x1], $0xffff  }
0x49: {  	s31 =	sshll.u32 s14, $0xE;
	v3 =	vld.idx.msk [tilespmem:v1+s20+$0xFFFFFFD0 ss:$0x1], $0xffff  }
0x4a: {  	s18 =	sand.u32 $0x4000, s31;
	v5 =	vld.idx.msk [tilespmem:v1+s20+$0xFFFFFFE0 ss:$0x1], $0xffff;
	[tilespmem:v0+s20+$0x30 ss:$0x1] =	vst.idx.msk $0xffff, v7  }
0x4b: {  	s21 =	simm.s32 $0x400;
	s19 =	simm.s32 $0x80;
	s18 =	sor.u32 $0x8000, s18;
	[tilespmem:v0+s20+$0xFFFFFFC0 ss:$0x1] =	vst.idx.msk $0xffff, v8;
	v7 =	vld.idx.msk [tilespmem:v1+s20+$0xFFFFFFF0 ss:$0x1], $0xffff  }
.LBB1_3:
0x4c: {  	p0 =	sne.s32 s21, $0xFE00;
	v8 =	vld.idx.msk [tilespmem:v1+s19+$0x0 ss:$0x1], $0xffff;
	[tilespmem:v0+s20+$0xFFFFFFD0 ss:$0x1] =	vst.idx.msk $0xffff, v6  }
0x4d: {  	v9 =	vld.idx.msk [tilespmem:v1+s19+$0xFFFFFF90 ss:$0x1], $0xffff;
	[tilespmem:v0+s20+$0xFFFFFFE0 ss:$0x1] =	vst.idx.msk $0xffff, v4  }
0x4e: {  	v6 =	vld.idx.msk [tilespmem:v1+s19+$0xFFFFFFA0 ss:$0x1], $0xffff;
	[tilespmem:v0+s20+$0xFFFFFFF0 ss:$0x1] =	vst.idx.msk $0xffff, v2  }
.Ltmp3:
0x4f: {  	v4 =	vld.idx.msk [tilespmem:v1+s19+$0xFFFFFFB0 ss:$0x1], $0xffff;
	[tilespmem:v0+s20+$0x0 ss:$0x1] =	vst.idx.msk $0xffff, v3;
	(pc) =	sbr.rel @p0 .LBB1_3-.Ltmp3, $4  }
0x50: {  	v2 =	vld.idx.msk [tilespmem:v1+s19+$0xFFFFFFC0 ss:$0x1], $0xffff;
	[tilespmem:v0+s20+$0x10 ss:$0x1] =	vst.idx.msk $0xffff, v5  }
0x51: {  	v3 =	vld.idx.msk [tilespmem:v1+s19+$0xFFFFFFD0 ss:$0x1], $0xffff;
	[tilespmem:v0+s20+$0x20 ss:$0x1] =	vst.idx.msk $0xffff, v7;
	s20 =	smov.u32 s19  }
0x52: {  	v5 =	vld.idx.msk [tilespmem:v1+s20+$0xFFFFFFE0 ss:$0x1], $0xffff;
	[tilespmem:v0+s20+$0x30 ss:$0x1] =	vst.idx.msk $0xffff, v8  }
0x53: {  	s19 =	sshra.s32 s21, $0x2;
	s21 =	sadd.s32 $0x200, s21;
	[tilespmem:v0+s20+$0xFFFFFFC0 ss:$0x1] =	vst.idx.msk $0xffff, v9;
	v7 =	vld.idx.msk [tilespmem:v1+s20+$0xFFFFFFF0 ss:$0x1], $0xffff  }
.Ltmp4:
0x54: {  	_ = 	snop;
	(pc) =	sbr.rel .LBB1_4-.Ltmp4, $1  }
0x55: {  	_ =	sdelay $0x3  }
.LBB1_6:
0x56: {  	_ =	sfence.sel $0x180000  }
0x57: {  	s1 =	simm.s32 $0x1;
	[bflag:$0x0] =	sbarrier.arrive $0xFFFF  }
0x58: {  	s31 =	simm.s32 $0x2;
	[sflag:s1] =	ssyncpa.u1 $0x1  }
0x59: {  	[sflag:s31] =	ssyncpa.u1 $0x1  }
0x5a: {  	p0 =	sne.s32 s0, $0x0;
	_ =	strace $0x9000004A  }
0x5b: {  	s0 =	sadd.s32 @!p0 $0x100000, s3;
	[bflag:$0x2] =	sbarrier.arrive $0xFFFF  }
0x5c: {  	[sflag:s0] =	ssyncadd.tile.s32 @!p0 $0x1;
	_ =	shalt  }
.Lfunc_end1:
_tile_overlayer_lowered:
.L_overlay_start_2:
0x5d: {  	(tag) =	ssettag $0x2  }
0x5e: {  	s0 =	rddreg [dreg:$0x0];
	s2 =	stileid.u32  }
0x5f: {  	s1 =	rddreg [dreg:$0x1];
	p0 =	sne.s32 s2, $0x0  }
0x60: {  	s3 =	rddreg [dreg:$0x2];
	[bflag:$0x3] =	sbarrier.arrive $0xFFFF;
	s2 =	simm.s32 @!p0 $0x1C01  }
0x61: {  	[timem:s3], [sflag:s2] =	dma.local @!p0 [hbm:s0], s1  }
0x62: {  	s0 =	simm.s32 @!p0 $0x1  }
0x63: {  	_ =	swait.ge @!p0 [sflag:s0], s1  }
0x64: {  	s1 =	ssub.s32 @!p0 $0x0, s1;
	[sflag:s0] =	ssyncset.done @!p0 $0x0  }
0x65: {  	[sflag:s0] =	ssyncadd.s32 @!p0 s1  }
0x66: {  	[bflag:$0x3] =	sbarrier.arrive $0xFFFF  }
0x67: {  	_ =	shalt  }

</sc_bundles>
